<compile_context>
chip_gen: v7x
topology: tpu7x:2x2x1
jax: 0.10.2.dev20260603
libtpu: 0.0.44.dev20260713+nightly
codegen_flags: <defaults>
</compile_context>

<pallas_src>
import functools

import jax
import jax.numpy as jnp
from jax import lax
from jax.experimental import pallas as pl
from jax.experimental.pallas import tpu as pltpu
from jax.experimental.pallas import tpu_sc as plsc

_L = 16
_NC = 2
_NS = 16
_C = 80


def _proj_body(h_ref, wfc_ref, wa_ref, zs_ref, a12_ref):
    d = wfc_ref.shape[1]
    hd = d // 2
    z = jnp.dot(h_ref[...], wfc_ref[...], preferred_element_type=jnp.float32)
    zs_ref[0] = z[:, :hd]
    zs_ref[1] = z[:, hd:]
    wa = wa_ref[...]
    w2 = jnp.concatenate([wa[:d, :], wa[d:, :]], axis=1)
    a12_ref[...] = lax.dot_general(
        w2, z, (((0,), (1,)), ((), ())),
        preferred_element_type=jnp.float32)


def _make_edge_kernel(n, d, e):
    hd = d // 2
    ept = e // _NS
    nchunk = ept // _C
    roww = hd + _L
    npad = ((n + 8 * _NS - 1) // (8 * _NS)) * (8 * _NS)
    rpt = npad // _NS
    nfull = rpt // _C
    rem = rpt - nfull * _C
    ngrp = _C // _L

    mesh = plsc.VectorSubcoreMesh(core_axis_name="c", subcore_axis_name="s")

    @functools.partial(
        pl.kernel,
        mesh=mesh,
        compiler_params=pltpu.CompilerParams(
            use_tc_tiling_on_sc=False, needs_layout_passes=False),
        out_type=jax.ShapeDtypeStruct((2 * npad, roww), jnp.float32),
        scratch_types=[
            pltpu.VMEM((n,), jnp.float32),
            pltpu.VMEM((n,), jnp.float32),
            pltpu.VMEM((ept,), jnp.int32),
            pltpu.VMEM((ept,), jnp.int32),
            pltpu.VMEM((1, _C), jnp.int32),
            pltpu.VMEM((_C, hd), jnp.float32),
            pltpu.VMEM((_C, roww), jnp.float32),
            pltpu.VMEM((_C,), jnp.float32),
            pltpu.VMEM_SHARED((npad, roww), jnp.float32),
            pltpu.SemaphoreType.DMA,
        ],
    )
    def edge_kernel(zs_hbm, a12_hbm, src_hbm, dst_hbm,
                    out_hbm, a1_v, a2_v, src_v, dst_v, dstrow, zrows,
                    srows, p_v, u_sh, sem):
        cid = lax.axis_index("c")
        sid = lax.axis_index("s")

        zeros16 = jnp.zeros((_L,), jnp.float32)

        @pl.loop(0, _C)
        def _zero_srows(r):
            for j in range(roww // _L):
                srows[r, pl.ds(j * _L, _L)] = zeros16

        ubase = sid * rpt
        for t in range(nfull):
            pltpu.sync_copy(srows, u_sh.at[pl.ds(ubase + t * _C, _C)])
        if rem:
            pltpu.sync_copy(srows.at[pl.ds(0, rem)],
                            u_sh.at[pl.ds(ubase + nfull * _C, rem)])

        pltpu.sync_copy(a12_hbm.at[0], a1_v)
        pltpu.sync_copy(a12_hbm.at[1], a2_v)
        ebase = sid * ept
        pltpu.sync_copy(src_hbm.at[pl.ds(ebase, ept)], src_v)
        pltpu.sync_copy(dst_hbm.at[pl.ds(ebase, ept)], dst_v)

        plsc.subcore_barrier()

        iota = lax.iota(jnp.int32, _L)

        @pl.loop(0, nchunk)
        def _chunk(k):
            eoff = k * _C
            gather = pltpu.async_copy(
                zs_hbm.at[cid].at[src_v.at[pl.ds(eoff, _C)]], zrows, sem)
            for g in range(ngrp):
                si = src_v[pl.ds(eoff + g * _L, _L)]
                di = dst_v[pl.ds(eoff + g * _L, _L)]
                dstrow[0, pl.ds(g * _L, _L)] = di
                s = plsc.load_gather(a1_v, [si]) + plsc.load_gather(a2_v, [di])
                ev = jnp.where(s >= 0, s, s * jnp.float32(0.01))
                ev = jnp.where(ev == jnp.float32(0.0), jnp.float32(-1000.0), ev)
                p_v[pl.ds(g * _L, _L)] = jnp.exp(ev)
            gather.wait()

            @pl.loop(0, _C)
            def _scale(r):
                pe = plsc.load_gather(p_v, [jnp.full((_L,), r, jnp.int32)])
                for j in range(hd // _L):
                    srows[r, pl.ds(j * _L, _L)] = (
                        zrows[r, pl.ds(j * _L, _L)] * pe)
                srows[r, pl.ds(hd, _L)] = jnp.where(
                    iota == 0, pe, jnp.float32(0.0))

            pltpu.sync_copy(srows, u_sh.at[dstrow.at[0]], add=True)

        plsc.subcore_barrier()

        obase = cid * npad + ubase
        for t in range(nfull):
            pltpu.sync_copy(u_sh.at[pl.ds(ubase + t * _C, _C)],
                            out_hbm.at[pl.ds(obase + t * _C, _C)])
        if rem:
            pltpu.sync_copy(u_sh.at[pl.ds(ubase + nfull * _C, rem)],
                            out_hbm.at[pl.ds(obase + nfull * _C, rem)])

    return edge_kernel, npad


def _combine_body(n, d, npad, u_ref, out_ref):
    hd = d // 2
    den = u_ref[:n, hd:hd + 1]
    left = u_ref[:n, :hd]
    right = u_ref[npad:npad + n, :hd]
    safe = jnp.where(den > 0, den, jnp.float32(1.0))
    out = jnp.concatenate([left, right], axis=1) / safe
    out_ref[...] = jnp.where(den > 0, out, jnp.float32(0.0))


def kernel(h, edge_index, wp_embed, W_fc, W_feat, b_feat, W_attn):
    n, in_dim = h.shape
    d = W_fc.shape[1]
    e = edge_index.shape[1]
    assert e % (_NS * _C) == 0 and d % (2 * _L) == 0

    zs, a12 = pl.pallas_call(
        _proj_body,
        out_shape=[
            jax.ShapeDtypeStruct((2, n, d // 2), jnp.float32),
            jax.ShapeDtypeStruct((2, n), jnp.float32),
        ],
    )(h, W_fc, W_attn)

    src = edge_index[0]
    dst = edge_index[1]

    edge_kernel, npad = _make_edge_kernel(n, d, e)
    u = edge_kernel(zs, a12, src, dst)

    h_out = pl.pallas_call(
        functools.partial(_combine_body, n, d, npad),
        out_shape=jax.ShapeDtypeStruct((n, d), jnp.float32),
    )(u)
    return h_out

# --- scband reference (transcript-rebuilt; emitter-appended) ---
"""Pipeline reference for scband-wpgatlayer-10093173145806 (READ-ONLY COPY).

The authoritative reference and input builder live on the scoring server;
editing this copy changes nothing except your own understanding.
"""

import jax, jax.numpy as jnp
import numpy as np

N = 10000
E = 320000
IN_DIM = 128
OUT_DIM = 128
FEAT_EMBED = 16


def setup_inputs(seed: int = 0) -> dict:
    key = jax.random.key(seed)
    ks = jax.random.split(key, 7)
    h = jax.random.normal(ks[0], (N, IN_DIM), dtype=jnp.float32)
    edge_index = jax.random.randint(ks[1], (2, E), 0, N, dtype=jnp.int32)
    wp_embed = jax.random.normal(ks[2], (E, FEAT_EMBED), dtype=jnp.float32)
    W_fc = jax.random.normal(ks[3], (IN_DIM, OUT_DIM), dtype=jnp.float32) * (1.0 / np.sqrt(IN_DIM))
    W_feat = jax.random.normal(ks[4], (FEAT_EMBED, OUT_DIM), dtype=jnp.float32) * (1.0 / np.sqrt(FEAT_EMBED))
    b_feat = jnp.zeros((OUT_DIM,), dtype=jnp.float32)
    W_attn = jax.random.normal(ks[5], (2 * OUT_DIM, 1), dtype=jnp.float32) * (1.0 / np.sqrt(2 * OUT_DIM))
    return {
        'h': h,
        'edge_index': edge_index,
        'wp_embed': wp_embed,
        'W_fc': W_fc,
        'W_feat': W_feat,
        'b_feat': b_feat,
        'W_attn': W_attn,
    }


def reference(h, edge_index, wp_embed, W_fc, W_feat, b_feat, W_attn):
    src = edge_index[0]
    dst = edge_index[1]
    # z = self.fc(h)
    z = h @ W_fc  # [N, OUT]
    # edge_attention: dfeat computed in original but never used in output
    dfeat = wp_embed @ W_feat + b_feat  # [E, OUT] (unused, faithful to original)
    z2 = jnp.concatenate([z[src], z[dst]], axis=1)  # [E, 2*OUT]
    e = jax.nn.leaky_relu(z2 @ W_attn)  # [E, 1]
    # reduce_func: edges with e == 0 are masked to -1000 before softmax
    e_masked = jnp.where(e == 0.0, jnp.float32(-1000.0), e)
    ev = e_masked[:, 0]  # [E]
    # segment softmax over incoming edges per destination node
    e_max = jax.ops.segment_max(ev, dst, num_segments=N)
    e_exp = jnp.exp(ev - e_max[dst])
    denom = jax.ops.segment_sum(e_exp, dst, num_segments=N)
    alpha = e_exp / denom[dst]  # [E]
    # h_out = sum over incoming edges of alpha * z_src
    h_out = jax.ops.segment_sum(alpha[:, None] * z[src], dst, num_segments=N)  # [N, OUT]
    return h_out

if __name__ == "__main__":
    import jax
    _d = setup_inputs()
    print(jax.jit(kernel)(*tuple(_d.values())))

</pallas_src>

<mosaic_0001>
#map = affine_map<(d0, d1) -> (0, 0, 0)>
#map1 = affine_map<(d0, d1) -> (0, 0)>
#map2 = affine_map<(d0, d1) -> (0)>
module attributes {stable_mosaic.version = 14 : i64} {
  func.func @edge_kernel(%arg0: i32, %arg1: i32, %arg2: memref<2x10000x64xf32, #tpu.memory_space<hbm>>, %arg3: memref<2x10000xf32, #tpu.memory_space<hbm>>, %arg4: memref<320000xi32, #tpu.memory_space<hbm>>, %arg5: memref<320000xi32, #tpu.memory_space<hbm>>, %arg6: memref<20224x80xf32, #tpu.memory_space<hbm>>, %arg7: memref<10000xf32, #tpu.memory_space<vmem>>, %arg8: memref<10000xf32, #tpu.memory_space<vmem>>, %arg9: memref<20000xi32, #tpu.memory_space<vmem>>, %arg10: memref<20000xi32, #tpu.memory_space<vmem>>, %arg11: memref<1x80xi32, #tpu.memory_space<vmem>>, %arg12: memref<80x64xf32, #tpu.memory_space<vmem>>, %arg13: memref<80x80xf32, #tpu.memory_space<vmem>>, %arg14: memref<80xf32, #tpu.memory_space<vmem>>, %arg15: memref<10112x80xf32, #tpu.memory_space<vmem_shared>>, %arg16: memref<!tpu.dma_semaphore, #tpu.memory_space<semaphore_mem>>) attributes {dimension_semantics = [#tpu.dimension_semantics<core_parallel>, #tpu.dimension_semantics<subcore_parallel>], iteration_bounds = array<i64: 2, 16>, scalar_prefetch = 0 : i64, scratch_operands = 10 : i64, tpu.core_type = #tpu.core_type<sc_vector_subcore>, window_params = [{transform_indices = #map}, {transform_indices = #map1}, {transform_indices = #map2}, {transform_indices = #map2}, {transform_indices = #map1}]} {
    %broadcast_in_dim3A = arith.constant 0.000000e+00 : f32
    %broadcast_in_dim3A_0 = vector.broadcast %broadcast_in_dim3A : f32 to vector<16xf32>
    %scan3A = arith.constant 0 : i32
    %scan3A_1 = arith.constant 80 : i32
    %scan3A_2 = arith.addi %scan3A, %scan3A_1 : i32
    %scan3A_3 = arith.constant 1 : i32
    scf.for %scan3A_65 = %scan3A to %scan3A_2 step %scan3A_3  : i32 {
      %mul3A_66 = arith.constant 1 : i32
      %mul3A_67 = arith.muli %scan3A_65, %mul3A_66 : i32
      %add3A_68 = arith.constant 0 : i32
      %add3A_69 = arith.addi %add3A_68, %mul3A_67 : i32
      %swap3A = arith.index_cast %add3A_69 : i32 to index
      %swap3A_70 = arith.constant 0 : index
      %swap3A_71 = tpu.vector_load %arg13[%swap3A, %swap3A_70] {strides = array<i32>} : memref<80x80xf32, #tpu.memory_space<vmem>>, vector<16xf32>,
      tpu.vector_store %arg13[%swap3A, %swap3A_70], %broadcast_in_dim3A_0 {strides = array<i32>} : memref<80x80xf32, #tpu.memory_space<vmem>>, vector<16xf32>,
      %swap3A_72 = arith.index_cast %add3A_69 : i32 to index
      %swap3A_73 = arith.constant 16 : index
      %swap3A_74 = tpu.vector_load %arg13[%swap3A_72, %swap3A_73] {strides = array<i32>} : memref<80x80xf32, #tpu.memory_space<vmem>>, vector<16xf32>,
      tpu.vector_store %arg13[%swap3A_72, %swap3A_73], %broadcast_in_dim3A_0 {strides = array<i32>} : memref<80x80xf32, #tpu.memory_space<vmem>>, vector<16xf32>,
      %swap3A_75 = arith.index_cast %add3A_69 : i32 to index
      %swap3A_76 = arith.constant 32 : index
      %swap3A_77 = tpu.vector_load %arg13[%swap3A_75, %swap3A_76] {strides = array<i32>} : memref<80x80xf32, #tpu.memory_space<vmem>>, vector<16xf32>,
      tpu.vector_store %arg13[%swap3A_75, %swap3A_76], %broadcast_in_dim3A_0 {strides = array<i32>} : memref<80x80xf32, #tpu.memory_space<vmem>>, vector<16xf32>,
      %swap3A_78 = arith.index_cast %add3A_69 : i32 to index
      %swap3A_79 = arith.constant 48 : index
      %swap3A_80 = tpu.vector_load %arg13[%swap3A_78, %swap3A_79] {strides = array<i32>} : memref<80x80xf32, #tpu.memory_space<vmem>>, vector<16xf32>,
      tpu.vector_store %arg13[%swap3A_78, %swap3A_79], %broadcast_in_dim3A_0 {strides = array<i32>} : memref<80x80xf32, #tpu.memory_space<vmem>>, vector<16xf32>,
      %swap3A_81 = arith.index_cast %add3A_69 : i32 to index
      %swap3A_82 = arith.constant 64 : index
      %swap3A_83 = tpu.vector_load %arg13[%swap3A_81, %swap3A_82] {strides = array<i32>} : memref<80x80xf32, #tpu.memory_space<vmem>>, vector<16xf32>,
      tpu.vector_store %arg13[%swap3A_81, %swap3A_82], %broadcast_in_dim3A_0 {strides = array<i32>} : memref<80x80xf32, #tpu.memory_space<vmem>>, vector<16xf32>,
    }
    %scan3A_4 = arith.constant 80 : i32
    %mul3A = arith.constant 632 : i32
    %mul3A_5 = arith.muli %arg1, %mul3A : i32
    %add3A = arith.constant 0 : i32
    %add3A_6 = arith.addi %mul3A_5, %add3A : i32
    "tpu.region"() ({
      %run_scoped3A_65 = tpu.sem_alloc : memref<!tpu.dma_semaphore, #tpu.memory_space<semaphore_mem>>
      %dma_start3A = arith.constant 0 : i32
      %dma_start3A_66 = tpu.memref_slice %arg15[%add3A_6, %dma_start3A] : memref<10112x80xf32, #tpu.memory_space<vmem_shared>> -> memref<80x80xf32, #tpu.memory_space<vmem_shared>>
      %dma_start3A_67 = arith.constant 0 : i32
      %dma_start3A_68 = tpu.memref_slice %arg15[%add3A_6, %dma_start3A_67] : memref<10112x80xf32, #tpu.memory_space<vmem_shared>> -> memref<80x80xf32, #tpu.memory_space<vmem_shared>>
      tpu.enqueue_dma source(%arg13 : memref<80x80xf32, #tpu.memory_space<vmem>>) target(%dma_start3A_68 : memref<80x80xf32, #tpu.memory_space<vmem_shared>>) target_semaphore(%run_scoped3A_65 : memref<!tpu.dma_semaphore, #tpu.memory_space<semaphore_mem>>)
      %dma_wait3A = arith.constant 0 : i32
      %dma_wait3A_69 = tpu.memref_slice %arg15[%add3A_6, %dma_wait3A] : memref<10112x80xf32, #tpu.memory_space<vmem_shared>> -> memref<80x80xf32, #tpu.memory_space<vmem_shared>>
      %dma_wait3A_70 = arith.constant 0 : i32
      %dma_wait3A_71 = tpu.memref_slice %arg15[%add3A_6, %dma_wait3A_70] : memref<10112x80xf32, #tpu.memory_space<vmem_shared>> -> memref<80x80xf32, #tpu.memory_space<vmem_shared>>
      tpu.wait_dma2 semaphore(%run_scoped3A_65 : memref<!tpu.dma_semaphore, #tpu.memory_space<semaphore_mem>>) src(%arg13 : memref<80x80xf32, #tpu.memory_space<vmem>>) dst(%dma_wait3A_71 : memref<80x80xf32, #tpu.memory_space<vmem_shared>>)
      tpu.yield
    }) : () -> ()
    %add3A_7 = arith.constant 80 : i32
    %add3A_8 = arith.addi %mul3A_5, %add3A_7 : i32
    "tpu.region"() ({
      %run_scoped3A_65 = tpu.sem_alloc : memref<!tpu.dma_semaphore, #tpu.memory_space<semaphore_mem>>
      %dma_start3A = arith.constant 0 : i32
      %dma_start3A_66 = tpu.memref_slice %arg15[%add3A_8, %dma_start3A] : memref<10112x80xf32, #tpu.memory_space<vmem_shared>> -> memref<80x80xf32, #tpu.memory_space<vmem_shared>>
      %dma_start3A_67 = arith.constant 0 : i32
      %dma_start3A_68 = tpu.memref_slice %arg15[%add3A_8, %dma_start3A_67] : memref<10112x80xf32, #tpu.memory_space<vmem_shared>> -> memref<80x80xf32, #tpu.memory_space<vmem_shared>>
      tpu.enqueue_dma source(%arg13 : memref<80x80xf32, #tpu.memory_space<vmem>>) target(%dma_start3A_68 : memref<80x80xf32, #tpu.memory_space<vmem_shared>>) target_semaphore(%run_scoped3A_65 : memref<!tpu.dma_semaphore, #tpu.memory_space<semaphore_mem>>)
      %dma_wait3A = arith.constant 0 : i32
      %dma_wait3A_69 = tpu.memref_slice %arg15[%add3A_8, %dma_wait3A] : memref<10112x80xf32, #tpu.memory_space<vmem_shared>> -> memref<80x80xf32, #tpu.memory_space<vmem_shared>>
      %dma_wait3A_70 = arith.constant 0 : i32
      %dma_wait3A_71 = tpu.memref_slice %arg15[%add3A_8, %dma_wait3A_70] : memref<10112x80xf32, #tpu.memory_space<vmem_shared>> -> memref<80x80xf32, #tpu.memory_space<vmem_shared>>
      tpu.wait_dma2 semaphore(%run_scoped3A_65 : memref<!tpu.dma_semaphore, #tpu.memory_space<semaphore_mem>>) src(%arg13 : memref<80x80xf32, #tpu.memory_space<vmem>>) dst(%dma_wait3A_71 : memref<80x80xf32, #tpu.memory_space<vmem_shared>>)
      tpu.yield
    }) : () -> ()
    %add3A_9 = arith.constant 160 : i32
    %add3A_10 = arith.addi %mul3A_5, %add3A_9 : i32
    "tpu.region"() ({
      %run_scoped3A_65 = tpu.sem_alloc : memref<!tpu.dma_semaphore, #tpu.memory_space<semaphore_mem>>
      %dma_start3A = arith.constant 0 : i32
      %dma_start3A_66 = tpu.memref_slice %arg15[%add3A_10, %dma_start3A] : memref<10112x80xf32, #tpu.memory_space<vmem_shared>> -> memref<80x80xf32, #tpu.memory_space<vmem_shared>>
      %dma_start3A_67 = arith.constant 0 : i32
      %dma_start3A_68 = tpu.memref_slice %arg15[%add3A_10, %dma_start3A_67] : memref<10112x80xf32, #tpu.memory_space<vmem_shared>> -> memref<80x80xf32, #tpu.memory_space<vmem_shared>>
      tpu.enqueue_dma source(%arg13 : memref<80x80xf32, #tpu.memory_space<vmem>>) target(%dma_start3A_68 : memref<80x80xf32, #tpu.memory_space<vmem_shared>>) target_semaphore(%run_scoped3A_65 : memref<!tpu.dma_semaphore, #tpu.memory_space<semaphore_mem>>)
      %dma_wait3A = arith.constant 0 : i32
      %dma_wait3A_69 = tpu.memref_slice %arg15[%add3A_10, %dma_wait3A] : memref<10112x80xf32, #tpu.memory_space<vmem_shared>> -> memref<80x80xf32, #tpu.memory_space<vmem_shared>>
      %dma_wait3A_70 = arith.constant 0 : i32
      %dma_wait3A_71 = tpu.memref_slice %arg15[%add3A_10, %dma_wait3A_70] : memref<10112x80xf32, #tpu.memory_space<vmem_shared>> -> memref<80x80xf32, #tpu.memory_space<vmem_shared>>
      tpu.wait_dma2 semaphore(%run_scoped3A_65 : memref<!tpu.dma_semaphore, #tpu.memory_space<semaphore_mem>>) src(%arg13 : memref<80x80xf32, #tpu.memory_space<vmem>>) dst(%dma_wait3A_71 : memref<80x80xf32, #tpu.memory_space<vmem_shared>>)
      tpu.yield
    }) : () -> ()
    %add3A_11 = arith.constant 240 : i32
    %add3A_12 = arith.addi %mul3A_5, %add3A_11 : i32
    "tpu.region"() ({
      %run_scoped3A_65 = tpu.sem_alloc : memref<!tpu.dma_semaphore, #tpu.memory_space<semaphore_mem>>
      %dma_start3A = arith.constant 0 : i32
      %dma_start3A_66 = tpu.memref_slice %arg15[%add3A_12, %dma_start3A] : memref<10112x80xf32, #tpu.memory_space<vmem_shared>> -> memref<80x80xf32, #tpu.memory_space<vmem_shared>>
      %dma_start3A_67 = arith.constant 0 : i32
      %dma_start3A_68 = tpu.memref_slice %arg15[%add3A_12, %dma_start3A_67] : memref<10112x80xf32, #tpu.memory_space<vmem_shared>> -> memref<80x80xf32, #tpu.memory_space<vmem_shared>>
      tpu.enqueue_dma source(%arg13 : memref<80x80xf32, #tpu.memory_space<vmem>>) target(%dma_start3A_68 : memref<80x80xf32, #tpu.memory_space<vmem_shared>>) target_semaphore(%run_scoped3A_65 : memref<!tpu.dma_semaphore, #tpu.memory_space<semaphore_mem>>)
      %dma_wait3A = arith.constant 0 : i32
      %dma_wait3A_69 = tpu.memref_slice %arg15[%add3A_12, %dma_wait3A] : memref<10112x80xf32, #tpu.memory_space<vmem_shared>> -> memref<80x80xf32, #tpu.memory_space<vmem_shared>>
      %dma_wait3A_70 = arith.constant 0 : i32
      %dma_wait3A_71 = tpu.memref_slice %arg15[%add3A_12, %dma_wait3A_70] : memref<10112x80xf32, #tpu.memory_space<vmem_shared>> -> memref<80x80xf32, #tpu.memory_space<vmem_shared>>
      tpu.wait_dma2 semaphore(%run_scoped3A_65 : memref<!tpu.dma_semaphore, #tpu.memory_space<semaphore_mem>>) src(%arg13 : memref<80x80xf32, #tpu.memory_space<vmem>>) dst(%dma_wait3A_71 : memref<80x80xf32, #tpu.memory_space<vmem_shared>>)
      tpu.yield
    }) : () -> ()
    %add3A_13 = arith.constant 320 : i32
    %add3A_14 = arith.addi %mul3A_5, %add3A_13 : i32
    "tpu.region"() ({
      %run_scoped3A_65 = tpu.sem_alloc : memref<!tpu.dma_semaphore, #tpu.memory_space<semaphore_mem>>
      %dma_start3A = arith.constant 0 : i32
      %dma_start3A_66 = tpu.memref_slice %arg15[%add3A_14, %dma_start3A] : memref<10112x80xf32, #tpu.memory_space<vmem_shared>> -> memref<80x80xf32, #tpu.memory_space<vmem_shared>>
      %dma_start3A_67 = arith.constant 0 : i32
      %dma_start3A_68 = tpu.memref_slice %arg15[%add3A_14, %dma_start3A_67] : memref<10112x80xf32, #tpu.memory_space<vmem_shared>> -> memref<80x80xf32, #tpu.memory_space<vmem_shared>>
      tpu.enqueue_dma source(%arg13 : memref<80x80xf32, #tpu.memory_space<vmem>>) target(%dma_start3A_68 : memref<80x80xf32, #tpu.memory_space<vmem_shared>>) target_semaphore(%run_scoped3A_65 : memref<!tpu.dma_semaphore, #tpu.memory_space<semaphore_mem>>)
      %dma_wait3A = arith.constant 0 : i32
      %dma_wait3A_69 = tpu.memref_slice %arg15[%add3A_14, %dma_wait3A] : memref<10112x80xf32, #tpu.memory_space<vmem_shared>> -> memref<80x80xf32, #tpu.memory_space<vmem_shared>>
      %dma_wait3A_70 = arith.constant 0 : i32
      %dma_wait3A_71 = tpu.memref_slice %arg15[%add3A_14, %dma_wait3A_70] : memref<10112x80xf32, #tpu.memory_space<vmem_shared>> -> memref<80x80xf32, #tpu.memory_space<vmem_shared>>
      tpu.wait_dma2 semaphore(%run_scoped3A_65 : memref<!tpu.dma_semaphore, #tpu.memory_space<semaphore_mem>>) src(%arg13 : memref<80x80xf32, #tpu.memory_space<vmem>>) dst(%dma_wait3A_71 : memref<80x80xf32, #tpu.memory_space<vmem_shared>>)
      tpu.yield
    }) : () -> ()
    %add3A_15 = arith.constant 400 : i32
    %add3A_16 = arith.addi %mul3A_5, %add3A_15 : i32
    "tpu.region"() ({
      %run_scoped3A_65 = tpu.sem_alloc : memref<!tpu.dma_semaphore, #tpu.memory_space<semaphore_mem>>
      %dma_start3A = arith.constant 0 : i32
      %dma_start3A_66 = tpu.memref_slice %arg15[%add3A_16, %dma_start3A] : memref<10112x80xf32, #tpu.memory_space<vmem_shared>> -> memref<80x80xf32, #tpu.memory_space<vmem_shared>>
      %dma_start3A_67 = arith.constant 0 : i32
      %dma_start3A_68 = tpu.memref_slice %arg15[%add3A_16, %dma_start3A_67] : memref<10112x80xf32, #tpu.memory_space<vmem_shared>> -> memref<80x80xf32, #tpu.memory_space<vmem_shared>>
      tpu.enqueue_dma source(%arg13 : memref<80x80xf32, #tpu.memory_space<vmem>>) target(%dma_start3A_68 : memref<80x80xf32, #tpu.memory_space<vmem_shared>>) target_semaphore(%run_scoped3A_65 : memref<!tpu.dma_semaphore, #tpu.memory_space<semaphore_mem>>)
      %dma_wait3A = arith.constant 0 : i32
      %dma_wait3A_69 = tpu.memref_slice %arg15[%add3A_16, %dma_wait3A] : memref<10112x80xf32, #tpu.memory_space<vmem_shared>> -> memref<80x80xf32, #tpu.memory_space<vmem_shared>>
      %dma_wait3A_70 = arith.constant 0 : i32
      %dma_wait3A_71 = tpu.memref_slice %arg15[%add3A_16, %dma_wait3A_70] : memref<10112x80xf32, #tpu.memory_space<vmem_shared>> -> memref<80x80xf32, #tpu.memory_space<vmem_shared>>
      tpu.wait_dma2 semaphore(%run_scoped3A_65 : memref<!tpu.dma_semaphore, #tpu.memory_space<semaphore_mem>>) src(%arg13 : memref<80x80xf32, #tpu.memory_space<vmem>>) dst(%dma_wait3A_71 : memref<80x80xf32, #tpu.memory_space<vmem_shared>>)
      tpu.yield
    }) : () -> ()
    %add3A_17 = arith.constant 480 : i32
    %add3A_18 = arith.addi %mul3A_5, %add3A_17 : i32
    "tpu.region"() ({
      %run_scoped3A_65 = tpu.sem_alloc : memref<!tpu.dma_semaphore, #tpu.memory_space<semaphore_mem>>
      %dma_start3A = arith.constant 0 : i32
      %dma_start3A_66 = tpu.memref_slice %arg15[%add3A_18, %dma_start3A] : memref<10112x80xf32, #tpu.memory_space<vmem_shared>> -> memref<80x80xf32, #tpu.memory_space<vmem_shared>>
      %dma_start3A_67 = arith.constant 0 : i32
      %dma_start3A_68 = tpu.memref_slice %arg15[%add3A_18, %dma_start3A_67] : memref<10112x80xf32, #tpu.memory_space<vmem_shared>> -> memref<80x80xf32, #tpu.memory_space<vmem_shared>>
      tpu.enqueue_dma source(%arg13 : memref<80x80xf32, #tpu.memory_space<vmem>>) target(%dma_start3A_68 : memref<80x80xf32, #tpu.memory_space<vmem_shared>>) target_semaphore(%run_scoped3A_65 : memref<!tpu.dma_semaphore, #tpu.memory_space<semaphore_mem>>)
      %dma_wait3A = arith.constant 0 : i32
      %dma_wait3A_69 = tpu.memref_slice %arg15[%add3A_18, %dma_wait3A] : memref<10112x80xf32, #tpu.memory_space<vmem_shared>> -> memref<80x80xf32, #tpu.memory_space<vmem_shared>>
      %dma_wait3A_70 = arith.constant 0 : i32
      %dma_wait3A_71 = tpu.memref_slice %arg15[%add3A_18, %dma_wait3A_70] : memref<10112x80xf32, #tpu.memory_space<vmem_shared>> -> memref<80x80xf32, #tpu.memory_space<vmem_shared>>
      tpu.wait_dma2 semaphore(%run_scoped3A_65 : memref<!tpu.dma_semaphore, #tpu.memory_space<semaphore_mem>>) src(%arg13 : memref<80x80xf32, #tpu.memory_space<vmem>>) dst(%dma_wait3A_71 : memref<80x80xf32, #tpu.memory_space<vmem_shared>>)
      tpu.yield
    }) : () -> ()
    %add3A_19 = arith.constant 560 : i32
    %add3A_20 = arith.addi %mul3A_5, %add3A_19 : i32
    "tpu.region"() ({
      %run_scoped3A_65 = tpu.sem_alloc : memref<!tpu.dma_semaphore, #tpu.memory_space<semaphore_mem>>
      %dma_start3A = arith.constant 0 : i32
      %dma_start3A_66 = arith.constant 0 : i32
      %dma_start3A_67 = tpu.memref_slice %arg13[%dma_start3A, %dma_start3A_66] : memref<80x80xf32, #tpu.memory_space<vmem>> -> memref<72x80xf32, #tpu.memory_space<vmem>>
      %dma_start3A_68 = arith.constant 0 : i32
      %dma_start3A_69 = tpu.memref_slice %arg15[%add3A_20, %dma_start3A_68] : memref<10112x80xf32, #tpu.memory_space<vmem_shared>> -> memref<72x80xf32, #tpu.memory_space<vmem_shared>>
      %dma_start3A_70 = arith.constant 0 : i32
      %dma_start3A_71 = tpu.memref_slice %arg15[%add3A_20, %dma_start3A_70] : memref<10112x80xf32, #tpu.memory_space<vmem_shared>> -> memref<72x80xf32, #tpu.memory_space<vmem_shared>>
      %dma_start3A_72 = arith.constant 0 : i32
      %dma_start3A_73 = arith.constant 0 : i32
      %dma_start3A_74 = tpu.memref_slice %arg13[%dma_start3A_72, %dma_start3A_73] : memref<80x80xf32, #tpu.memory_space<vmem>> -> memref<72x80xf32, #tpu.memory_space<vmem>>
      tpu.enqueue_dma source(%dma_start3A_74 : memref<72x80xf32, #tpu.memory_space<vmem>>) target(%dma_start3A_71 : memref<72x80xf32, #tpu.memory_space<vmem_shared>>) target_semaphore(%run_scoped3A_65 : memref<!tpu.dma_semaphore, #tpu.memory_space<semaphore_mem>>)
      %dma_wait3A = arith.constant 0 : i32
      %dma_wait3A_75 = arith.constant 0 : i32
      %dma_wait3A_76 = tpu.memref_slice %arg13[%dma_wait3A, %dma_wait3A_75] : memref<80x80xf32, #tpu.memory_space<vmem>> -> memref<72x80xf32, #tpu.memory_space<vmem>>
      %dma_wait3A_77 = arith.constant 0 : i32
      %dma_wait3A_78 = tpu.memref_slice %arg15[%add3A_20, %dma_wait3A_77] : memref<10112x80xf32, #tpu.memory_space<vmem_shared>> -> memref<72x80xf32, #tpu.memory_space<vmem_shared>>
      %dma_wait3A_79 = arith.constant 0 : i32
      %dma_wait3A_80 = tpu.memref_slice %arg15[%add3A_20, %dma_wait3A_79] : memref<10112x80xf32, #tpu.memory_space<vmem_shared>> -> memref<72x80xf32, #tpu.memory_space<vmem_shared>>
      %dma_wait3A_81 = arith.constant 0 : i32
      %dma_wait3A_82 = arith.constant 0 : i32
      %dma_wait3A_83 = tpu.memref_slice %arg13[%dma_wait3A_81, %dma_wait3A_82] : memref<80x80xf32, #tpu.memory_space<vmem>> -> memref<72x80xf32, #tpu.memory_space<vmem>>
      tpu.wait_dma2 semaphore(%run_scoped3A_65 : memref<!tpu.dma_semaphore, #tpu.memory_space<semaphore_mem>>) src(%dma_wait3A_83 : memref<72x80xf32, #tpu.memory_space<vmem>>) dst(%dma_wait3A_80 : memref<72x80xf32, #tpu.memory_space<vmem_shared>>)
      tpu.yield
    }) : () -> ()
    %run_scoped3A = arith.constant 0 : i32
    "tpu.region"() ({
      %run_scoped3A_65 = tpu.sem_alloc : memref<!tpu.dma_semaphore, #tpu.memory_space<semaphore_mem>>
      %dma_start3A = arith.constant 0 : i32
      %dma_start3A_66 = tpu.memref_slice %arg3[%run_scoped3A, %dma_start3A] : memref<2x10000xf32, #tpu.memory_space<hbm>> -> memref<1x10000xf32, #tpu.memory_space<hbm>>
      %dma_start3A_67 = tpu.memref_squeeze %dma_start3A_66 : memref<1x10000xf32, #tpu.memory_space<hbm>> -> memref<10000xf32, #tpu.memory_space<hbm>>
      %dma_start3A_68 = arith.constant 0 : i32
      %dma_start3A_69 = tpu.memref_slice %arg3[%run_scoped3A, %dma_start3A_68] : memref<2x10000xf32, #tpu.memory_space<hbm>> -> memref<1x10000xf32, #tpu.memory_space<hbm>>
      %dma_start3A_70 = tpu.memref_squeeze %dma_start3A_69 : memref<1x10000xf32, #tpu.memory_space<hbm>> -> memref<10000xf32, #tpu.memory_space<hbm>>
      tpu.enqueue_dma source(%dma_start3A_70 : memref<10000xf32, #tpu.memory_space<hbm>>) target(%arg7 : memref<10000xf32, #tpu.memory_space<vmem>>) target_semaphore(%run_scoped3A_65 : memref<!tpu.dma_semaphore, #tpu.memory_space<semaphore_mem>>)
      %dma_wait3A = arith.constant 0 : i32
      %dma_wait3A_71 = tpu.memref_slice %arg3[%run_scoped3A, %dma_wait3A] : memref<2x10000xf32, #tpu.memory_space<hbm>> -> memref<1x10000xf32, #tpu.memory_space<hbm>>
      %dma_wait3A_72 = tpu.memref_squeeze %dma_wait3A_71 : memref<1x10000xf32, #tpu.memory_space<hbm>> -> memref<10000xf32, #tpu.memory_space<hbm>>
      %dma_wait3A_73 = arith.constant 0 : i32
      %dma_wait3A_74 = tpu.memref_slice %arg3[%run_scoped3A, %dma_wait3A_73] : memref<2x10000xf32, #tpu.memory_space<hbm>> -> memref<1x10000xf32, #tpu.memory_space<hbm>>
      %dma_wait3A_75 = tpu.memref_squeeze %dma_wait3A_74 : memref<1x10000xf32, #tpu.memory_space<hbm>> -> memref<10000xf32, #tpu.memory_space<hbm>>
      tpu.wait_dma2 semaphore(%run_scoped3A_65 : memref<!tpu.dma_semaphore, #tpu.memory_space<semaphore_mem>>) src(%dma_wait3A_75 : memref<10000xf32, #tpu.memory_space<hbm>>) dst(%arg7 : memref<10000xf32, #tpu.memory_space<vmem>>)
      tpu.yield
    }) : () -> ()
    %run_scoped3A_21 = arith.constant 1 : i32
    "tpu.region"() ({
      %run_scoped3A_65 = tpu.sem_alloc : memref<!tpu.dma_semaphore, #tpu.memory_space<semaphore_mem>>
      %dma_start3A = arith.constant 0 : i32
      %dma_start3A_66 = tpu.memref_slice %arg3[%run_scoped3A_21, %dma_start3A] : memref<2x10000xf32, #tpu.memory_space<hbm>> -> memref<1x10000xf32, #tpu.memory_space<hbm>>
      %dma_start3A_67 = tpu.memref_squeeze %dma_start3A_66 : memref<1x10000xf32, #tpu.memory_space<hbm>> -> memref<10000xf32, #tpu.memory_space<hbm>>
      %dma_start3A_68 = arith.constant 0 : i32
      %dma_start3A_69 = tpu.memref_slice %arg3[%run_scoped3A_21, %dma_start3A_68] : memref<2x10000xf32, #tpu.memory_space<hbm>> -> memref<1x10000xf32, #tpu.memory_space<hbm>>
      %dma_start3A_70 = tpu.memref_squeeze %dma_start3A_69 : memref<1x10000xf32, #tpu.memory_space<hbm>> -> memref<10000xf32, #tpu.memory_space<hbm>>
      tpu.enqueue_dma source(%dma_start3A_70 : memref<10000xf32, #tpu.memory_space<hbm>>) target(%arg8 : memref<10000xf32, #tpu.memory_space<vmem>>) target_semaphore(%run_scoped3A_65 : memref<!tpu.dma_semaphore, #tpu.memory_space<semaphore_mem>>)
      %dma_wait3A = arith.constant 0 : i32
      %dma_wait3A_71 = tpu.memref_slice %arg3[%run_scoped3A_21, %dma_wait3A] : memref<2x10000xf32, #tpu.memory_space<hbm>> -> memref<1x10000xf32, #tpu.memory_space<hbm>>
      %dma_wait3A_72 = tpu.memref_squeeze %dma_wait3A_71 : memref<1x10000xf32, #tpu.memory_space<hbm>> -> memref<10000xf32, #tpu.memory_space<hbm>>
      %dma_wait3A_73 = arith.constant 0 : i32
      %dma_wait3A_74 = tpu.memref_slice %arg3[%run_scoped3A_21, %dma_wait3A_73] : memref<2x10000xf32, #tpu.memory_space<hbm>> -> memref<1x10000xf32, #tpu.memory_space<hbm>>
      %dma_wait3A_75 = tpu.memref_squeeze %dma_wait3A_74 : memref<1x10000xf32, #tpu.memory_space<hbm>> -> memref<10000xf32, #tpu.memory_space<hbm>>
      tpu.wait_dma2 semaphore(%run_scoped3A_65 : memref<!tpu.dma_semaphore, #tpu.memory_space<semaphore_mem>>) src(%dma_wait3A_75 : memref<10000xf32, #tpu.memory_space<hbm>>) dst(%arg8 : memref<10000xf32, #tpu.memory_space<vmem>>)
      tpu.yield
    }) : () -> ()
    %mul3A_22 = arith.constant 20000 : i32
    %mul3A_23 = arith.muli %arg1, %mul3A_22 : i32
    "tpu.region"() ({
      %run_scoped3A_65 = tpu.sem_alloc : memref<!tpu.dma_semaphore, #tpu.memory_space<semaphore_mem>>
      %dma_start3A = tpu.memref_slice %arg4[%mul3A_23] : memref<320000xi32, #tpu.memory_space<hbm>> -> memref<20000xi32, #tpu.memory_space<hbm>>
      %dma_start3A_66 = tpu.memref_slice %arg4[%mul3A_23] : memref<320000xi32, #tpu.memory_space<hbm>> -> memref<20000xi32, #tpu.memory_space<hbm>>
      tpu.enqueue_dma source(%dma_start3A_66 : memref<20000xi32, #tpu.memory_space<hbm>>) target(%arg9 : memref<20000xi32, #tpu.memory_space<vmem>>) target_semaphore(%run_scoped3A_65 : memref<!tpu.dma_semaphore, #tpu.memory_space<semaphore_mem>>)
      %dma_wait3A = tpu.memref_slice %arg4[%mul3A_23] : memref<320000xi32, #tpu.memory_space<hbm>> -> memref<20000xi32, #tpu.memory_space<hbm>>
      %dma_wait3A_67 = tpu.memref_slice %arg4[%mul3A_23] : memref<320000xi32, #tpu.memory_space<hbm>> -> memref<20000xi32, #tpu.memory_space<hbm>>
      tpu.wait_dma2 semaphore(%run_scoped3A_65 : memref<!tpu.dma_semaphore, #tpu.memory_space<semaphore_mem>>) src(%dma_wait3A_67 : memref<20000xi32, #tpu.memory_space<hbm>>) dst(%arg9 : memref<20000xi32, #tpu.memory_space<vmem>>)
      tpu.yield
    }) : () -> ()
    "tpu.region"() ({
      %run_scoped3A_65 = tpu.sem_alloc : memref<!tpu.dma_semaphore, #tpu.memory_space<semaphore_mem>>
      %dma_start3A = tpu.memref_slice %arg5[%mul3A_23] : memref<320000xi32, #tpu.memory_space<hbm>> -> memref<20000xi32, #tpu.memory_space<hbm>>
      %dma_start3A_66 = tpu.memref_slice %arg5[%mul3A_23] : memref<320000xi32, #tpu.memory_space<hbm>> -> memref<20000xi32, #tpu.memory_space<hbm>>
      tpu.enqueue_dma source(%dma_start3A_66 : memref<20000xi32, #tpu.memory_space<hbm>>) target(%arg10 : memref<20000xi32, #tpu.memory_space<vmem>>) target_semaphore(%run_scoped3A_65 : memref<!tpu.dma_semaphore, #tpu.memory_space<semaphore_mem>>)
      %dma_wait3A = tpu.memref_slice %arg5[%mul3A_23] : memref<320000xi32, #tpu.memory_space<hbm>> -> memref<20000xi32, #tpu.memory_space<hbm>>
      %dma_wait3A_67 = tpu.memref_slice %arg5[%mul3A_23] : memref<320000xi32, #tpu.memory_space<hbm>> -> memref<20000xi32, #tpu.memory_space<hbm>>
      tpu.wait_dma2 semaphore(%run_scoped3A_65 : memref<!tpu.dma_semaphore, #tpu.memory_space<semaphore_mem>>) src(%dma_wait3A_67 : memref<20000xi32, #tpu.memory_space<hbm>>) dst(%arg10 : memref<20000xi32, #tpu.memory_space<vmem>>)
      tpu.yield
    }) : () -> ()
    %barrier3A = arith.constant 0 : index
    tpu.barrier barrier_id(%barrier3A)
    %iota3A = tpu.iota {dimensions = array<i32: 0>} : vector<16xi32>
    %scan3A_24 = arith.constant 0 : i32
    %scan3A_25 = arith.constant 250 : i32
    %scan3A_26 = arith.addi %scan3A_24, %scan3A_25 : i32
    %scan3A_27 = arith.constant 1 : i32
    scf.for %scan3A_65 = %scan3A_24 to %scan3A_26 step %scan3A_27  : i32 {
      %mul3A_66 = arith.constant 1 : i32
      %mul3A_67 = arith.muli %scan3A_65, %mul3A_66 : i32
      %add3A_68 = arith.constant 0 : i32
      %add3A_69 = arith.addi %add3A_68, %mul3A_67 : i32
      %mul3A_70 = arith.constant 80 : i32
      %mul3A_71 = arith.muli %add3A_69, %mul3A_70 : i32
      %dma_start3A = tpu.memref_slice %arg9[%mul3A_71] : memref<20000xi32, #tpu.memory_space<vmem>> -> memref<80xi32, #tpu.memory_space<vmem>>
      %dma_start3A_72 = arith.constant 0 : i32
      %dma_start3A_73 = arith.constant 0 : i32
      %dma_start3A_74 = tpu.memref_slice %arg2[%arg0, %dma_start3A_72, %dma_start3A_73] : memref<2x10000x64xf32, #tpu.memory_space<hbm>> -> memref<1x10000x64xf32, #tpu.memory_space<hbm>>
      %dma_start3A_75 = tpu.memref_squeeze %dma_start3A_74 : memref<1x10000x64xf32, #tpu.memory_space<hbm>> -> memref<10000x64xf32, #tpu.memory_space<hbm>>
      %dma_start3A_76 = arith.constant 0 : i32
      %dma_start3A_77 = arith.constant 0 : i32
      %dma_start3A_78 = tpu.memref_slice %dma_start3A_75[%dma_start3A_76, %dma_start3A_77] : memref<10000x64xf32, #tpu.memory_space<hbm>> -> memref<10000x64xf32, #tpu.memory_space<hbm>>
      tpu.enqueue_indirect_dma source(%dma_start3A_78 : memref<10000x64xf32, #tpu.memory_space<hbm>>) target(%arg12 : memref<80x64xf32, #tpu.memory_space<vmem>>) offsets(%dma_start3A : memref<80xi32, #tpu.memory_space<vmem>>) semaphore(%arg16 : memref<!tpu.dma_semaphore, #tpu.memory_space<semaphore_mem>>)
      %add3A_79 = arith.constant 0 : i32
      %add3A_80 = arith.addi %mul3A_71, %add3A_79 : i32
      %get3A = arith.index_cast %add3A_80 : i32 to index
      %get3A_81 = tpu.vector_load %arg9[%get3A] {strides = array<i32>} : memref<20000xi32, #tpu.memory_space<vmem>>, vector<16xi32>,
      %add3A_82 = arith.constant 0 : i32
      %add3A_83 = arith.addi %mul3A_71, %add3A_82 : i32
      %get3A_84 = arith.index_cast %add3A_83 : i32 to index
      %get3A_85 = tpu.vector_load %arg10[%get3A_84] {strides = array<i32>} : memref<20000xi32, #tpu.memory_space<vmem>>, vector<16xi32>,
      %swap3A = arith.constant 0 : i32
      %swap3A_86 = arith.index_cast %swap3A : i32 to index
      %swap3A_87 = arith.constant 0 : index
      %swap3A_88 = tpu.vector_load %arg11[%swap3A_86, %swap3A_87] {strides = array<i32>} : memref<1x80xi32, #tpu.memory_space<vmem>>, vector<16xi32>,
      tpu.vector_store %arg11[%swap3A_86, %swap3A_87], %get3A_85 {strides = array<i32>} : memref<1x80xi32, #tpu.memory_space<vmem>>, vector<16xi32>,
      %gather3A = tpu.vector_load_idx %arg7[%get3A_81] : memref<10000xf32, #tpu.memory_space<vmem>>[vector<16xi32>], vector<16xf32>,
      %gather3A_89 = tpu.vector_load_idx %arg8[%get3A_85] : memref<10000xf32, #tpu.memory_space<vmem>>[vector<16xi32>], vector<16xf32>,
      %add3A_90 = arith.addf %gather3A, %gather3A_89 : vector<16xf32>
      %ge3A = arith.constant 0.000000e+00 : f32
      %ge3A_91 = vector.broadcast %ge3A : f32 to vector<16xf32>
      %ge3A_92 = arith.cmpf oge, %add3A_90, %ge3A_91 : vector<16xf32>
      %mul3A_93 = arith.constant 0.00999999977 : f32
      %mul3A_94 = vector.broadcast %mul3A_93 : f32 to vector<16xf32>
      %mul3A_95 = arith.mulf %add3A_90, %mul3A_94 : vector<16xf32>
      %select_n3A = arith.select %ge3A_92, %add3A_90, %mul3A_95 : vector<16xi1>, vector<16xf32>
      %eq3A = arith.constant 0.000000e+00 : f32
      %eq3A_96 = vector.broadcast %eq3A : f32 to vector<16xf32>
      %eq3A_97 = arith.cmpf oeq, %select_n3A, %eq3A_96 : vector<16xf32>
      %jit3A = arith.constant -1.000000e+03 : f32
      %broadcast_in_dim3A_98 = vector.broadcast %jit3A : f32 to vector<16xf32>
      %select_n3A_99 = arith.select %eq3A_97, %broadcast_in_dim3A_98, %select_n3A : vector<16xi1>, vector<16xf32>
      %exp3A = math.exp %select_n3A_99 : vector<16xf32>
      %swap3A_100 = arith.constant 0 : index
      %swap3A_101 = tpu.vector_load %arg14[%swap3A_100] {strides = array<i32>} : memref<80xf32, #tpu.memory_space<vmem>>, vector<16xf32>,
      tpu.vector_store %arg14[%swap3A_100], %exp3A {strides = array<i32>} : memref<80xf32, #tpu.memory_space<vmem>>, vector<16xf32>,
      %add3A_102 = arith.constant 16 : i32
      %add3A_103 = arith.addi %mul3A_71, %add3A_102 : i32
      %get3A_104 = arith.index_cast %add3A_103 : i32 to index
      %get3A_105 = tpu.vector_load %arg9[%get3A_104] {strides = array<i32>} : memref<20000xi32, #tpu.memory_space<vmem>>, vector<16xi32>,
      %add3A_106 = arith.constant 16 : i32
      %add3A_107 = arith.addi %mul3A_71, %add3A_106 : i32
      %get3A_108 = arith.index_cast %add3A_107 : i32 to index
      %get3A_109 = tpu.vector_load %arg10[%get3A_108] {strides = array<i32>} : memref<20000xi32, #tpu.memory_space<vmem>>, vector<16xi32>,
      %swap3A_110 = arith.constant 0 : i32
      %swap3A_111 = arith.index_cast %swap3A_110 : i32 to index
      %swap3A_112 = arith.constant 16 : index
      %swap3A_113 = tpu.vector_load %arg11[%swap3A_111, %swap3A_112] {strides = array<i32>} : memref<1x80xi32, #tpu.memory_space<vmem>>, vector<16xi32>,
      tpu.vector_store %arg11[%swap3A_111, %swap3A_112], %get3A_109 {strides = array<i32>} : memref<1x80xi32, #tpu.memory_space<vmem>>, vector<16xi32>,
      %gather3A_114 = tpu.vector_load_idx %arg7[%get3A_105] : memref<10000xf32, #tpu.memory_space<vmem>>[vector<16xi32>], vector<16xf32>,
      %gather3A_115 = tpu.vector_load_idx %arg8[%get3A_109] : memref<10000xf32, #tpu.memory_space<vmem>>[vector<16xi32>], vector<16xf32>,
      %add3A_116 = arith.addf %gather3A_114, %gather3A_115 : vector<16xf32>
      %ge3A_117 = arith.constant 0.000000e+00 : f32
      %ge3A_118 = vector.broadcast %ge3A_117 : f32 to vector<16xf32>
      %ge3A_119 = arith.cmpf oge, %add3A_116, %ge3A_118 : vector<16xf32>
      %mul3A_120 = arith.constant 0.00999999977 : f32
      %mul3A_121 = vector.broadcast %mul3A_120 : f32 to vector<16xf32>
      %mul3A_122 = arith.mulf %add3A_116, %mul3A_121 : vector<16xf32>
      %select_n3A_123 = arith.select %ge3A_119, %add3A_116, %mul3A_122 : vector<16xi1>, vector<16xf32>
      %eq3A_124 = arith.constant 0.000000e+00 : f32
      %eq3A_125 = vector.broadcast %eq3A_124 : f32 to vector<16xf32>
      %eq3A_126 = arith.cmpf oeq, %select_n3A_123, %eq3A_125 : vector<16xf32>
      %jit3A_127 = arith.constant -1.000000e+03 : f32
      %broadcast_in_dim3A_128 = vector.broadcast %jit3A_127 : f32 to vector<16xf32>
      %select_n3A_129 = arith.select %eq3A_126, %broadcast_in_dim3A_128, %select_n3A_123 : vector<16xi1>, vector<16xf32>
      %exp3A_130 = math.exp %select_n3A_129 : vector<16xf32>
      %swap3A_131 = arith.constant 16 : index
      %swap3A_132 = tpu.vector_load %arg14[%swap3A_131] {strides = array<i32>} : memref<80xf32, #tpu.memory_space<vmem>>, vector<16xf32>,
      tpu.vector_store %arg14[%swap3A_131], %exp3A_130 {strides = array<i32>} : memref<80xf32, #tpu.memory_space<vmem>>, vector<16xf32>,
      %add3A_133 = arith.constant 32 : i32
      %add3A_134 = arith.addi %mul3A_71, %add3A_133 : i32
      %get3A_135 = arith.index_cast %add3A_134 : i32 to index
      %get3A_136 = tpu.vector_load %arg9[%get3A_135] {strides = array<i32>} : memref<20000xi32, #tpu.memory_space<vmem>>, vector<16xi32>,
      %add3A_137 = arith.constant 32 : i32
      %add3A_138 = arith.addi %mul3A_71, %add3A_137 : i32
      %get3A_139 = arith.index_cast %add3A_138 : i32 to index
      %get3A_140 = tpu.vector_load %arg10[%get3A_139] {strides = array<i32>} : memref<20000xi32, #tpu.memory_space<vmem>>, vector<16xi32>,
      %swap3A_141 = arith.constant 0 : i32
      %swap3A_142 = arith.index_cast %swap3A_141 : i32 to index
      %swap3A_143 = arith.constant 32 : index
      %swap3A_144 = tpu.vector_load %arg11[%swap3A_142, %swap3A_143] {strides = array<i32>} : memref<1x80xi32, #tpu.memory_space<vmem>>, vector<16xi32>,
      tpu.vector_store %arg11[%swap3A_142, %swap3A_143], %get3A_140 {strides = array<i32>} : memref<1x80xi32, #tpu.memory_space<vmem>>, vector<16xi32>,
      %gather3A_145 = tpu.vector_load_idx %arg7[%get3A_136] : memref<10000xf32, #tpu.memory_space<vmem>>[vector<16xi32>], vector<16xf32>,
      %gather3A_146 = tpu.vector_load_idx %arg8[%get3A_140] : memref<10000xf32, #tpu.memory_space<vmem>>[vector<16xi32>], vector<16xf32>,
      %add3A_147 = arith.addf %gather3A_145, %gather3A_146 : vector<16xf32>
      %ge3A_148 = arith.constant 0.000000e+00 : f32
      %ge3A_149 = vector.broadcast %ge3A_148 : f32 to vector<16xf32>
      %ge3A_150 = arith.cmpf oge, %add3A_147, %ge3A_149 : vector<16xf32>
      %mul3A_151 = arith.constant 0.00999999977 : f32
      %mul3A_152 = vector.broadcast %mul3A_151 : f32 to vector<16xf32>
      %mul3A_153 = arith.mulf %add3A_147, %mul3A_152 : vector<16xf32>
      %select_n3A_154 = arith.select %ge3A_150, %add3A_147, %mul3A_153 : vector<16xi1>, vector<16xf32>
      %eq3A_155 = arith.constant 0.000000e+00 : f32
      %eq3A_156 = vector.broadcast %eq3A_155 : f32 to vector<16xf32>
      %eq3A_157 = arith.cmpf oeq, %select_n3A_154, %eq3A_156 : vector<16xf32>
      %jit3A_158 = arith.constant -1.000000e+03 : f32
      %broadcast_in_dim3A_159 = vector.broadcast %jit3A_158 : f32 to vector<16xf32>
      %select_n3A_160 = arith.select %eq3A_157, %broadcast_in_dim3A_159, %select_n3A_154 : vector<16xi1>, vector<16xf32>
      %exp3A_161 = math.exp %select_n3A_160 : vector<16xf32>
      %swap3A_162 = arith.constant 32 : index
      %swap3A_163 = tpu.vector_load %arg14[%swap3A_162] {strides = array<i32>} : memref<80xf32, #tpu.memory_space<vmem>>, vector<16xf32>,
      tpu.vector_store %arg14[%swap3A_162], %exp3A_161 {strides = array<i32>} : memref<80xf32, #tpu.memory_space<vmem>>, vector<16xf32>,
      %add3A_164 = arith.constant 48 : i32
      %add3A_165 = arith.addi %mul3A_71, %add3A_164 : i32
      %get3A_166 = arith.index_cast %add3A_165 : i32 to index
      %get3A_167 = tpu.vector_load %arg9[%get3A_166] {strides = array<i32>} : memref<20000xi32, #tpu.memory_space<vmem>>, vector<16xi32>,
      %add3A_168 = arith.constant 48 : i32
      %add3A_169 = arith.addi %mul3A_71, %add3A_168 : i32
      %get3A_170 = arith.index_cast %add3A_169 : i32 to index
      %get3A_171 = tpu.vector_load %arg10[%get3A_170] {strides = array<i32>} : memref<20000xi32, #tpu.memory_space<vmem>>, vector<16xi32>,
      %swap3A_172 = arith.constant 0 : i32
      %swap3A_173 = arith.index_cast %swap3A_172 : i32 to index
      %swap3A_174 = arith.constant 48 : index
      %swap3A_175 = tpu.vector_load %arg11[%swap3A_173, %swap3A_174] {strides = array<i32>} : memref<1x80xi32, #tpu.memory_space<vmem>>, vector<16xi32>,
      tpu.vector_store %arg11[%swap3A_173, %swap3A_174], %get3A_171 {strides = array<i32>} : memref<1x80xi32, #tpu.memory_space<vmem>>, vector<16xi32>,
      %gather3A_176 = tpu.vector_load_idx %arg7[%get3A_167] : memref<10000xf32, #tpu.memory_space<vmem>>[vector<16xi32>], vector<16xf32>,
      %gather3A_177 = tpu.vector_load_idx %arg8[%get3A_171] : memref<10000xf32, #tpu.memory_space<vmem>>[vector<16xi32>], vector<16xf32>,
      %add3A_178 = arith.addf %gather3A_176, %gather3A_177 : vector<16xf32>
      %ge3A_179 = arith.constant 0.000000e+00 : f32
      %ge3A_180 = vector.broadcast %ge3A_179 : f32 to vector<16xf32>
      %ge3A_181 = arith.cmpf oge, %add3A_178, %ge3A_180 : vector<16xf32>
      %mul3A_182 = arith.constant 0.00999999977 : f32
      %mul3A_183 = vector.broadcast %mul3A_182 : f32 to vector<16xf32>
      %mul3A_184 = arith.mulf %add3A_178, %mul3A_183 : vector<16xf32>
      %select_n3A_185 = arith.select %ge3A_181, %add3A_178, %mul3A_184 : vector<16xi1>, vector<16xf32>
      %eq3A_186 = arith.constant 0.000000e+00 : f32
      %eq3A_187 = vector.broadcast %eq3A_186 : f32 to vector<16xf32>
      %eq3A_188 = arith.cmpf oeq, %select_n3A_185, %eq3A_187 : vector<16xf32>
      %jit3A_189 = arith.constant -1.000000e+03 : f32
      %broadcast_in_dim3A_190 = vector.broadcast %jit3A_189 : f32 to vector<16xf32>
      %select_n3A_191 = arith.select %eq3A_188, %broadcast_in_dim3A_190, %select_n3A_185 : vector<16xi1>, vector<16xf32>
      %exp3A_192 = math.exp %select_n3A_191 : vector<16xf32>
      %swap3A_193 = arith.constant 48 : index
      %swap3A_194 = tpu.vector_load %arg14[%swap3A_193] {strides = array<i32>} : memref<80xf32, #tpu.memory_space<vmem>>, vector<16xf32>,
      tpu.vector_store %arg14[%swap3A_193], %exp3A_192 {strides = array<i32>} : memref<80xf32, #tpu.memory_space<vmem>>, vector<16xf32>,
      %add3A_195 = arith.constant 64 : i32
      %add3A_196 = arith.addi %mul3A_71, %add3A_195 : i32
      %get3A_197 = arith.index_cast %add3A_196 : i32 to index
      %get3A_198 = tpu.vector_load %arg9[%get3A_197] {strides = array<i32>} : memref<20000xi32, #tpu.memory_space<vmem>>, vector<16xi32>,
      %add3A_199 = arith.constant 64 : i32
      %add3A_200 = arith.addi %mul3A_71, %add3A_199 : i32
      %get3A_201 = arith.index_cast %add3A_200 : i32 to index
      %get3A_202 = tpu.vector_load %arg10[%get3A_201] {strides = array<i32>} : memref<20000xi32, #tpu.memory_space<vmem>>, vector<16xi32>,
      %swap3A_203 = arith.constant 0 : i32
      %swap3A_204 = arith.index_cast %swap3A_203 : i32 to index
      %swap3A_205 = arith.constant 64 : index
      %swap3A_206 = tpu.vector_load %arg11[%swap3A_204, %swap3A_205] {strides = array<i32>} : memref<1x80xi32, #tpu.memory_space<vmem>>, vector<16xi32>,
      tpu.vector_store %arg11[%swap3A_204, %swap3A_205], %get3A_202 {strides = array<i32>} : memref<1x80xi32, #tpu.memory_space<vmem>>, vector<16xi32>,
      %gather3A_207 = tpu.vector_load_idx %arg7[%get3A_198] : memref<10000xf32, #tpu.memory_space<vmem>>[vector<16xi32>], vector<16xf32>,
      %gather3A_208 = tpu.vector_load_idx %arg8[%get3A_202] : memref<10000xf32, #tpu.memory_space<vmem>>[vector<16xi32>], vector<16xf32>,
      %add3A_209 = arith.addf %gather3A_207, %gather3A_208 : vector<16xf32>
      %ge3A_210 = arith.constant 0.000000e+00 : f32
      %ge3A_211 = vector.broadcast %ge3A_210 : f32 to vector<16xf32>
      %ge3A_212 = arith.cmpf oge, %add3A_209, %ge3A_211 : vector<16xf32>
      %mul3A_213 = arith.constant 0.00999999977 : f32
      %mul3A_214 = vector.broadcast %mul3A_213 : f32 to vector<16xf32>
      %mul3A_215 = arith.mulf %add3A_209, %mul3A_214 : vector<16xf32>
      %select_n3A_216 = arith.select %ge3A_212, %add3A_209, %mul3A_215 : vector<16xi1>, vector<16xf32>
      %eq3A_217 = arith.constant 0.000000e+00 : f32
      %eq3A_218 = vector.broadcast %eq3A_217 : f32 to vector<16xf32>
      %eq3A_219 = arith.cmpf oeq, %select_n3A_216, %eq3A_218 : vector<16xf32>
      %jit3A_220 = arith.constant -1.000000e+03 : f32
      %broadcast_in_dim3A_221 = vector.broadcast %jit3A_220 : f32 to vector<16xf32>
      %select_n3A_222 = arith.select %eq3A_219, %broadcast_in_dim3A_221, %select_n3A_216 : vector<16xi1>, vector<16xf32>
      %exp3A_223 = math.exp %select_n3A_222 : vector<16xf32>
      %swap3A_224 = arith.constant 64 : index
      %swap3A_225 = tpu.vector_load %arg14[%swap3A_224] {strides = array<i32>} : memref<80xf32, #tpu.memory_space<vmem>>, vector<16xf32>,
      tpu.vector_store %arg14[%swap3A_224], %exp3A_223 {strides = array<i32>} : memref<80xf32, #tpu.memory_space<vmem>>, vector<16xf32>,
      %dma_wait3A = tpu.memref_slice %arg9[%mul3A_71] : memref<20000xi32, #tpu.memory_space<vmem>> -> memref<80xi32, #tpu.memory_space<vmem>>
      %dma_wait3A_226 = arith.constant 0 : i32
      %dma_wait3A_227 = arith.constant 0 : i32
      %dma_wait3A_228 = tpu.memref_slice %arg2[%arg0, %dma_wait3A_226, %dma_wait3A_227] : memref<2x10000x64xf32, #tpu.memory_space<hbm>> -> memref<1x10000x64xf32, #tpu.memory_space<hbm>>
      %dma_wait3A_229 = tpu.memref_squeeze %dma_wait3A_228 : memref<1x10000x64xf32, #tpu.memory_space<hbm>> -> memref<10000x64xf32, #tpu.memory_space<hbm>>
      %dma_wait3A_230 = arith.constant 0 : i32
      %dma_wait3A_231 = arith.constant 0 : i32
      %dma_wait3A_232 = tpu.memref_slice %dma_wait3A_229[%dma_wait3A_230, %dma_wait3A_231] : memref<10000x64xf32, #tpu.memory_space<hbm>> -> memref<10000x64xf32, #tpu.memory_space<hbm>>
      tpu.wait_indirect_dma semaphore(%arg16 : memref<!tpu.dma_semaphore, #tpu.memory_space<semaphore_mem>>) src(%dma_wait3A_232 : memref<10000x64xf32, #tpu.memory_space<hbm>>) dst(%arg12 : memref<80x64xf32, #tpu.memory_space<vmem>>)
      %scan3A_233 = arith.constant 0 : i32
      %scan3A_234 = arith.constant 80 : i32
      %scan3A_235 = arith.addi %scan3A_233, %scan3A_234 : i32
      %scan3A_236 = arith.constant 1 : i32
      scf.for %scan3A_239 = %scan3A_233 to %scan3A_235 step %scan3A_236  : i32 {
        %mul3A_240 = arith.constant 1 : i32
        %mul3A_241 = arith.muli %scan3A_239, %mul3A_240 : i32
        %add3A_242 = arith.constant 0 : i32
        %add3A_243 = arith.addi %add3A_242, %mul3A_241 : i32
        %broadcast_in_dim3A_244 = vector.broadcast %add3A_243 : i32 to vector<16xi32>
        %gather3A_245 = tpu.vector_load_idx %arg14[%broadcast_in_dim3A_244] : memref<80xf32, #tpu.memory_space<vmem>>[vector<16xi32>], vector<16xf32>,
        %get3A_246 = arith.index_cast %add3A_243 : i32 to index
        %get3A_247 = arith.constant 0 : index
        %get3A_248 = tpu.vector_load %arg12[%get3A_246, %get3A_247] {strides = array<i32>} : memref<80x64xf32, #tpu.memory_space<vmem>>, vector<16xf32>,
        %mul3A_249 = arith.mulf %get3A_248, %gather3A_245 : vector<16xf32>
        %swap3A_250 = arith.index_cast %add3A_243 : i32 to index
        %swap3A_251 = arith.constant 0 : index
        %swap3A_252 = tpu.vector_load %arg13[%swap3A_250, %swap3A_251] {strides = array<i32>} : memref<80x80xf32, #tpu.memory_space<vmem>>, vector<16xf32>,
        tpu.vector_store %arg13[%swap3A_250, %swap3A_251], %mul3A_249 {strides = array<i32>} : memref<80x80xf32, #tpu.memory_space<vmem>>, vector<16xf32>,
        %get3A_253 = arith.index_cast %add3A_243 : i32 to index
        %get3A_254 = arith.constant 16 : index
        %get3A_255 = tpu.vector_load %arg12[%get3A_253, %get3A_254] {strides = array<i32>} : memref<80x64xf32, #tpu.memory_space<vmem>>, vector<16xf32>,
        %mul3A_256 = arith.mulf %get3A_255, %gather3A_245 : vector<16xf32>
        %swap3A_257 = arith.index_cast %add3A_243 : i32 to index
        %swap3A_258 = arith.constant 16 : index
        %swap3A_259 = tpu.vector_load %arg13[%swap3A_257, %swap3A_258] {strides = array<i32>} : memref<80x80xf32, #tpu.memory_space<vmem>>, vector<16xf32>,
        tpu.vector_store %arg13[%swap3A_257, %swap3A_258], %mul3A_256 {strides = array<i32>} : memref<80x80xf32, #tpu.memory_space<vmem>>, vector<16xf32>,
        %get3A_260 = arith.index_cast %add3A_243 : i32 to index
        %get3A_261 = arith.constant 32 : index
        %get3A_262 = tpu.vector_load %arg12[%get3A_260, %get3A_261] {strides = array<i32>} : memref<80x64xf32, #tpu.memory_space<vmem>>, vector<16xf32>,
        %mul3A_263 = arith.mulf %get3A_262, %gather3A_245 : vector<16xf32>
        %swap3A_264 = arith.index_cast %add3A_243 : i32 to index
        %swap3A_265 = arith.constant 32 : index
        %swap3A_266 = tpu.vector_load %arg13[%swap3A_264, %swap3A_265] {strides = array<i32>} : memref<80x80xf32, #tpu.memory_space<vmem>>, vector<16xf32>,
        tpu.vector_store %arg13[%swap3A_264, %swap3A_265], %mul3A_263 {strides = array<i32>} : memref<80x80xf32, #tpu.memory_space<vmem>>, vector<16xf32>,
        %get3A_267 = arith.index_cast %add3A_243 : i32 to index
        %get3A_268 = arith.constant 48 : index
        %get3A_269 = tpu.vector_load %arg12[%get3A_267, %get3A_268] {strides = array<i32>} : memref<80x64xf32, #tpu.memory_space<vmem>>, vector<16xf32>,
        %mul3A_270 = arith.mulf %get3A_269, %gather3A_245 : vector<16xf32>
        %swap3A_271 = arith.index_cast %add3A_243 : i32 to index
        %swap3A_272 = arith.constant 48 : index
        %swap3A_273 = tpu.vector_load %arg13[%swap3A_271, %swap3A_272] {strides = array<i32>} : memref<80x80xf32, #tpu.memory_space<vmem>>, vector<16xf32>,
        tpu.vector_store %arg13[%swap3A_271, %swap3A_272], %mul3A_270 {strides = array<i32>} : memref<80x80xf32, #tpu.memory_space<vmem>>, vector<16xf32>,
        %eq3A_274 = arith.constant 0 : i32
        %eq3A_275 = vector.broadcast %eq3A_274 : i32 to vector<16xi32>
        %eq3A_276 = arith.cmpi eq, %iota3A, %eq3A_275 : vector<16xi32>
        %jit3A_277 = arith.constant 0.000000e+00 : f32
        %broadcast_in_dim3A_278 = vector.broadcast %jit3A_277 : f32 to vector<16xf32>
        %select_n3A_279 = arith.select %eq3A_276, %gather3A_245, %broadcast_in_dim3A_278 : vector<16xi1>, vector<16xf32>
        %swap3A_280 = arith.index_cast %add3A_243 : i32 to index
        %swap3A_281 = arith.constant 64 : index
        %swap3A_282 = tpu.vector_load %arg13[%swap3A_280, %swap3A_281] {strides = array<i32>} : memref<80x80xf32, #tpu.memory_space<vmem>>, vector<16xf32>,
        tpu.vector_store %arg13[%swap3A_280, %swap3A_281], %select_n3A_279 {strides = array<i32>} : memref<80x80xf32, #tpu.memory_space<vmem>>, vector<16xf32>,
      }
      %scan3A_237 = arith.constant 80 : i32
      %run_scoped3A_238 = arith.constant 0 : i32
      "tpu.region"() ({
        %run_scoped3A_239 = tpu.sem_alloc : memref<!tpu.dma_semaphore, #tpu.memory_space<semaphore_mem>>
        %dma_start3A_240 = arith.constant 0 : i32
        %dma_start3A_241 = tpu.memref_slice %arg11[%run_scoped3A_238, %dma_start3A_240] : memref<1x80xi32, #tpu.memory_space<vmem>> -> memref<1x80xi32, #tpu.memory_space<vmem>>
        %dma_start3A_242 = tpu.memref_squeeze %dma_start3A_241 : memref<1x80xi32, #tpu.memory_space<vmem>> -> memref<80xi32, #tpu.memory_space<vmem>>
        %dma_start3A_243 = arith.constant 0 : i32
        %dma_start3A_244 = arith.constant 0 : i32
        %dma_start3A_245 = tpu.memref_slice %arg15[%dma_start3A_243, %dma_start3A_244] : memref<10112x80xf32, #tpu.memory_space<vmem_shared>> -> memref<10112x80xf32, #tpu.memory_space<vmem_shared>>
        tpu.enqueue_indirect_dma source(%arg13 : memref<80x80xf32, #tpu.memory_space<vmem>>) target(%dma_start3A_245 : memref<10112x80xf32, #tpu.memory_space<vmem_shared>>) offsets(%dma_start3A_242 : memref<80xi32, #tpu.memory_space<vmem>>) semaphore(%run_scoped3A_239 : memref<!tpu.dma_semaphore, #tpu.memory_space<semaphore_mem>>) {add = true}
        %dma_wait3A_246 = arith.constant 0 : i32
        %dma_wait3A_247 = tpu.memref_slice %arg11[%run_scoped3A_238, %dma_wait3A_246] : memref<1x80xi32, #tpu.memory_space<vmem>> -> memref<1x80xi32, #tpu.memory_space<vmem>>
        %dma_wait3A_248 = tpu.memref_squeeze %dma_wait3A_247 : memref<1x80xi32, #tpu.memory_space<vmem>> -> memref<80xi32, #tpu.memory_space<vmem>>
        %dma_wait3A_249 = arith.constant 0 : i32
        %dma_wait3A_250 = arith.constant 0 : i32
        %dma_wait3A_251 = tpu.memref_slice %arg15[%dma_wait3A_249, %dma_wait3A_250] : memref<10112x80xf32, #tpu.memory_space<vmem_shared>> -> memref<10112x80xf32, #tpu.memory_space<vmem_shared>>
        tpu.wait_indirect_dma semaphore(%run_scoped3A_239 : memref<!tpu.dma_semaphore, #tpu.memory_space<semaphore_mem>>) src(%arg13 : memref<80x80xf32, #tpu.memory_space<vmem>>) dst(%dma_wait3A_251 : memref<10112x80xf32, #tpu.memory_space<vmem_shared>>)
        tpu.yield
      }) : () -> ()
    }
    %scan3A_28 = arith.constant 250 : i32
    %barrier3A_29 = arith.constant 0 : index
    tpu.barrier barrier_id(%barrier3A_29)
    %mul3A_30 = arith.constant 10112 : i32
    %mul3A_31 = arith.muli %arg0, %mul3A_30 : i32
    %add3A_32 = arith.addi %mul3A_31, %mul3A_5 : i32
    %add3A_33 = arith.constant 0 : i32
    %add3A_34 = arith.addi %mul3A_5, %add3A_33 : i32
    %add3A_35 = arith.constant 0 : i32
    %add3A_36 = arith.addi %add3A_32, %add3A_35 : i32
    "tpu.region"() ({
      %run_scoped3A_65 = tpu.sem_alloc : memref<!tpu.dma_semaphore, #tpu.memory_space<semaphore_mem>>
      %dma_start3A = arith.constant 0 : i32
      %dma_start3A_66 = tpu.memref_slice %arg6[%add3A_36, %dma_start3A] : memref<20224x80xf32, #tpu.memory_space<hbm>> -> memref<80x80xf32, #tpu.memory_space<hbm>>
      %dma_start3A_67 = arith.constant 0 : i32
      %dma_start3A_68 = tpu.memref_slice %arg15[%add3A_34, %dma_start3A_67] : memref<10112x80xf32, #tpu.memory_space<vmem_shared>> -> memref<80x80xf32, #tpu.memory_space<vmem_shared>>
      tpu.enqueue_dma source(%dma_start3A_68 : memref<80x80xf32, #tpu.memory_space<vmem_shared>>) target(%dma_start3A_66 : memref<80x80xf32, #tpu.memory_space<hbm>>) target_semaphore(%run_scoped3A_65 : memref<!tpu.dma_semaphore, #tpu.memory_space<semaphore_mem>>)
      %dma_wait3A = arith.constant 0 : i32
      %dma_wait3A_69 = tpu.memref_slice %arg6[%add3A_36, %dma_wait3A] : memref<20224x80xf32, #tpu.memory_space<hbm>> -> memref<80x80xf32, #tpu.memory_space<hbm>>
      %dma_wait3A_70 = arith.constant 0 : i32
      %dma_wait3A_71 = tpu.memref_slice %arg15[%add3A_34, %dma_wait3A_70] : memref<10112x80xf32, #tpu.memory_space<vmem_shared>> -> memref<80x80xf32, #tpu.memory_space<vmem_shared>>
      tpu.wait_dma2 semaphore(%run_scoped3A_65 : memref<!tpu.dma_semaphore, #tpu.memory_space<semaphore_mem>>) src(%dma_wait3A_71 : memref<80x80xf32, #tpu.memory_space<vmem_shared>>) dst(%dma_wait3A_69 : memref<80x80xf32, #tpu.memory_space<hbm>>)
      tpu.yield
    }) : () -> ()
    %add3A_37 = arith.constant 80 : i32
    %add3A_38 = arith.addi %mul3A_5, %add3A_37 : i32
    %add3A_39 = arith.constant 80 : i32
    %add3A_40 = arith.addi %add3A_32, %add3A_39 : i32
    "tpu.region"() ({
      %run_scoped3A_65 = tpu.sem_alloc : memref<!tpu.dma_semaphore, #tpu.memory_space<semaphore_mem>>
      %dma_start3A = arith.constant 0 : i32
      %dma_start3A_66 = tpu.memref_slice %arg6[%add3A_40, %dma_start3A] : memref<20224x80xf32, #tpu.memory_space<hbm>> -> memref<80x80xf32, #tpu.memory_space<hbm>>
      %dma_start3A_67 = arith.constant 0 : i32
      %dma_start3A_68 = tpu.memref_slice %arg15[%add3A_38, %dma_start3A_67] : memref<10112x80xf32, #tpu.memory_space<vmem_shared>> -> memref<80x80xf32, #tpu.memory_space<vmem_shared>>
      tpu.enqueue_dma source(%dma_start3A_68 : memref<80x80xf32, #tpu.memory_space<vmem_shared>>) target(%dma_start3A_66 : memref<80x80xf32, #tpu.memory_space<hbm>>) target_semaphore(%run_scoped3A_65 : memref<!tpu.dma_semaphore, #tpu.memory_space<semaphore_mem>>)
      %dma_wait3A = arith.constant 0 : i32
      %dma_wait3A_69 = tpu.memref_slice %arg6[%add3A_40, %dma_wait3A] : memref<20224x80xf32, #tpu.memory_space<hbm>> -> memref<80x80xf32, #tpu.memory_space<hbm>>
      %dma_wait3A_70 = arith.constant 0 : i32
      %dma_wait3A_71 = tpu.memref_slice %arg15[%add3A_38, %dma_wait3A_70] : memref<10112x80xf32, #tpu.memory_space<vmem_shared>> -> memref<80x80xf32, #tpu.memory_space<vmem_shared>>
      tpu.wait_dma2 semaphore(%run_scoped3A_65 : memref<!tpu.dma_semaphore, #tpu.memory_space<semaphore_mem>>) src(%dma_wait3A_71 : memref<80x80xf32, #tpu.memory_space<vmem_shared>>) dst(%dma_wait3A_69 : memref<80x80xf32, #tpu.memory_space<hbm>>)
      tpu.yield
    }) : () -> ()
    %add3A_41 = arith.constant 160 : i32
    %add3A_42 = arith.addi %mul3A_5, %add3A_41 : i32
    %add3A_43 = arith.constant 160 : i32
    %add3A_44 = arith.addi %add3A_32, %add3A_43 : i32
    "tpu.region"() ({
      %run_scoped3A_65 = tpu.sem_alloc : memref<!tpu.dma_semaphore, #tpu.memory_space<semaphore_mem>>
      %dma_start3A = arith.constant 0 : i32
      %dma_start3A_66 = tpu.memref_slice %arg6[%add3A_44, %dma_start3A] : memref<20224x80xf32, #tpu.memory_space<hbm>> -> memref<80x80xf32, #tpu.memory_space<hbm>>
      %dma_start3A_67 = arith.constant 0 : i32
      %dma_start3A_68 = tpu.memref_slice %arg15[%add3A_42, %dma_start3A_67] : memref<10112x80xf32, #tpu.memory_space<vmem_shared>> -> memref<80x80xf32, #tpu.memory_space<vmem_shared>>
      tpu.enqueue_dma source(%dma_start3A_68 : memref<80x80xf32, #tpu.memory_space<vmem_shared>>) target(%dma_start3A_66 : memref<80x80xf32, #tpu.memory_space<hbm>>) target_semaphore(%run_scoped3A_65 : memref<!tpu.dma_semaphore, #tpu.memory_space<semaphore_mem>>)
      %dma_wait3A = arith.constant 0 : i32
      %dma_wait3A_69 = tpu.memref_slice %arg6[%add3A_44, %dma_wait3A] : memref<20224x80xf32, #tpu.memory_space<hbm>> -> memref<80x80xf32, #tpu.memory_space<hbm>>
      %dma_wait3A_70 = arith.constant 0 : i32
      %dma_wait3A_71 = tpu.memref_slice %arg15[%add3A_42, %dma_wait3A_70] : memref<10112x80xf32, #tpu.memory_space<vmem_shared>> -> memref<80x80xf32, #tpu.memory_space<vmem_shared>>
      tpu.wait_dma2 semaphore(%run_scoped3A_65 : memref<!tpu.dma_semaphore, #tpu.memory_space<semaphore_mem>>) src(%dma_wait3A_71 : memref<80x80xf32, #tpu.memory_space<vmem_shared>>) dst(%dma_wait3A_69 : memref<80x80xf32, #tpu.memory_space<hbm>>)
      tpu.yield
    }) : () -> ()
    %add3A_45 = arith.constant 240 : i32
    %add3A_46 = arith.addi %mul3A_5, %add3A_45 : i32
    %add3A_47 = arith.constant 240 : i32
    %add3A_48 = arith.addi %add3A_32, %add3A_47 : i32
    "tpu.region"() ({
      %run_scoped3A_65 = tpu.sem_alloc : memref<!tpu.dma_semaphore, #tpu.memory_space<semaphore_mem>>
      %dma_start3A = arith.constant 0 : i32
      %dma_start3A_66 = tpu.memref_slice %arg6[%add3A_48, %dma_start3A] : memref<20224x80xf32, #tpu.memory_space<hbm>> -> memref<80x80xf32, #tpu.memory_space<hbm>>
      %dma_start3A_67 = arith.constant 0 : i32
      %dma_start3A_68 = tpu.memref_slice %arg15[%add3A_46, %dma_start3A_67] : memref<10112x80xf32, #tpu.memory_space<vmem_shared>> -> memref<80x80xf32, #tpu.memory_space<vmem_shared>>
      tpu.enqueue_dma source(%dma_start3A_68 : memref<80x80xf32, #tpu.memory_space<vmem_shared>>) target(%dma_start3A_66 : memref<80x80xf32, #tpu.memory_space<hbm>>) target_semaphore(%run_scoped3A_65 : memref<!tpu.dma_semaphore, #tpu.memory_space<semaphore_mem>>)
      %dma_wait3A = arith.constant 0 : i32
      %dma_wait3A_69 = tpu.memref_slice %arg6[%add3A_48, %dma_wait3A] : memref<20224x80xf32, #tpu.memory_space<hbm>> -> memref<80x80xf32, #tpu.memory_space<hbm>>
      %dma_wait3A_70 = arith.constant 0 : i32
      %dma_wait3A_71 = tpu.memref_slice %arg15[%add3A_46, %dma_wait3A_70] : memref<10112x80xf32, #tpu.memory_space<vmem_shared>> -> memref<80x80xf32, #tpu.memory_space<vmem_shared>>
      tpu.wait_dma2 semaphore(%run_scoped3A_65 : memref<!tpu.dma_semaphore, #tpu.memory_space<semaphore_mem>>) src(%dma_wait3A_71 : memref<80x80xf32, #tpu.memory_space<vmem_shared>>) dst(%dma_wait3A_69 : memref<80x80xf32, #tpu.memory_space<hbm>>)
      tpu.yield
    }) : () -> ()
    %add3A_49 = arith.constant 320 : i32
    %add3A_50 = arith.addi %mul3A_5, %add3A_49 : i32
    %add3A_51 = arith.constant 320 : i32
    %add3A_52 = arith.addi %add3A_32, %add3A_51 : i32
    "tpu.region"() ({
      %run_scoped3A_65 = tpu.sem_alloc : memref<!tpu.dma_semaphore, #tpu.memory_space<semaphore_mem>>
      %dma_start3A = arith.constant 0 : i32
      %dma_start3A_66 = tpu.memref_slice %arg6[%add3A_52, %dma_start3A] : memref<20224x80xf32, #tpu.memory_space<hbm>> -> memref<80x80xf32, #tpu.memory_space<hbm>>
      %dma_start3A_67 = arith.constant 0 : i32
      %dma_start3A_68 = tpu.memref_slice %arg15[%add3A_50, %dma_start3A_67] : memref<10112x80xf32, #tpu.memory_space<vmem_shared>> -> memref<80x80xf32, #tpu.memory_space<vmem_shared>>
      tpu.enqueue_dma source(%dma_start3A_68 : memref<80x80xf32, #tpu.memory_space<vmem_shared>>) target(%dma_start3A_66 : memref<80x80xf32, #tpu.memory_space<hbm>>) target_semaphore(%run_scoped3A_65 : memref<!tpu.dma_semaphore, #tpu.memory_space<semaphore_mem>>)
      %dma_wait3A = arith.constant 0 : i32
      %dma_wait3A_69 = tpu.memref_slice %arg6[%add3A_52, %dma_wait3A] : memref<20224x80xf32, #tpu.memory_space<hbm>> -> memref<80x80xf32, #tpu.memory_space<hbm>>
      %dma_wait3A_70 = arith.constant 0 : i32
      %dma_wait3A_71 = tpu.memref_slice %arg15[%add3A_50, %dma_wait3A_70] : memref<10112x80xf32, #tpu.memory_space<vmem_shared>> -> memref<80x80xf32, #tpu.memory_space<vmem_shared>>
      tpu.wait_dma2 semaphore(%run_scoped3A_65 : memref<!tpu.dma_semaphore, #tpu.memory_space<semaphore_mem>>) src(%dma_wait3A_71 : memref<80x80xf32, #tpu.memory_space<vmem_shared>>) dst(%dma_wait3A_69 : memref<80x80xf32, #tpu.memory_space<hbm>>)
      tpu.yield
    }) : () -> ()
    %add3A_53 = arith.constant 400 : i32
    %add3A_54 = arith.addi %mul3A_5, %add3A_53 : i32
    %add3A_55 = arith.constant 400 : i32
    %add3A_56 = arith.addi %add3A_32, %add3A_55 : i32
    "tpu.region"() ({
      %run_scoped3A_65 = tpu.sem_alloc : memref<!tpu.dma_semaphore, #tpu.memory_space<semaphore_mem>>
      %dma_start3A = arith.constant 0 : i32
      %dma_start3A_66 = tpu.memref_slice %arg6[%add3A_56, %dma_start3A] : memref<20224x80xf32, #tpu.memory_space<hbm>> -> memref<80x80xf32, #tpu.memory_space<hbm>>
      %dma_start3A_67 = arith.constant 0 : i32
      %dma_start3A_68 = tpu.memref_slice %arg15[%add3A_54, %dma_start3A_67] : memref<10112x80xf32, #tpu.memory_space<vmem_shared>> -> memref<80x80xf32, #tpu.memory_space<vmem_shared>>
      tpu.enqueue_dma source(%dma_start3A_68 : memref<80x80xf32, #tpu.memory_space<vmem_shared>>) target(%dma_start3A_66 : memref<80x80xf32, #tpu.memory_space<hbm>>) target_semaphore(%run_scoped3A_65 : memref<!tpu.dma_semaphore, #tpu.memory_space<semaphore_mem>>)
      %dma_wait3A = arith.constant 0 : i32
      %dma_wait3A_69 = tpu.memref_slice %arg6[%add3A_56, %dma_wait3A] : memref<20224x80xf32, #tpu.memory_space<hbm>> -> memref<80x80xf32, #tpu.memory_space<hbm>>
      %dma_wait3A_70 = arith.constant 0 : i32
      %dma_wait3A_71 = tpu.memref_slice %arg15[%add3A_54, %dma_wait3A_70] : memref<10112x80xf32, #tpu.memory_space<vmem_shared>> -> memref<80x80xf32, #tpu.memory_space<vmem_shared>>
      tpu.wait_dma2 semaphore(%run_scoped3A_65 : memref<!tpu.dma_semaphore, #tpu.memory_space<semaphore_mem>>) src(%dma_wait3A_71 : memref<80x80xf32, #tpu.memory_space<vmem_shared>>) dst(%dma_wait3A_69 : memref<80x80xf32, #tpu.memory_space<hbm>>)
      tpu.yield
    }) : () -> ()
    %add3A_57 = arith.constant 480 : i32
    %add3A_58 = arith.addi %mul3A_5, %add3A_57 : i32
    %add3A_59 = arith.constant 480 : i32
    %add3A_60 = arith.addi %add3A_32, %add3A_59 : i32
    "tpu.region"() ({
      %run_scoped3A_65 = tpu.sem_alloc : memref<!tpu.dma_semaphore, #tpu.memory_space<semaphore_mem>>
      %dma_start3A = arith.constant 0 : i32
      %dma_start3A_66 = tpu.memref_slice %arg6[%add3A_60, %dma_start3A] : memref<20224x80xf32, #tpu.memory_space<hbm>> -> memref<80x80xf32, #tpu.memory_space<hbm>>
      %dma_start3A_67 = arith.constant 0 : i32
      %dma_start3A_68 = tpu.memref_slice %arg15[%add3A_58, %dma_start3A_67] : memref<10112x80xf32, #tpu.memory_space<vmem_shared>> -> memref<80x80xf32, #tpu.memory_space<vmem_shared>>
      tpu.enqueue_dma source(%dma_start3A_68 : memref<80x80xf32, #tpu.memory_space<vmem_shared>>) target(%dma_start3A_66 : memref<80x80xf32, #tpu.memory_space<hbm>>) target_semaphore(%run_scoped3A_65 : memref<!tpu.dma_semaphore, #tpu.memory_space<semaphore_mem>>)
      %dma_wait3A = arith.constant 0 : i32
      %dma_wait3A_69 = tpu.memref_slice %arg6[%add3A_60, %dma_wait3A] : memref<20224x80xf32, #tpu.memory_space<hbm>> -> memref<80x80xf32, #tpu.memory_space<hbm>>
      %dma_wait3A_70 = arith.constant 0 : i32
      %dma_wait3A_71 = tpu.memref_slice %arg15[%add3A_58, %dma_wait3A_70] : memref<10112x80xf32, #tpu.memory_space<vmem_shared>> -> memref<80x80xf32, #tpu.memory_space<vmem_shared>>
      tpu.wait_dma2 semaphore(%run_scoped3A_65 : memref<!tpu.dma_semaphore, #tpu.memory_space<semaphore_mem>>) src(%dma_wait3A_71 : memref<80x80xf32, #tpu.memory_space<vmem_shared>>) dst(%dma_wait3A_69 : memref<80x80xf32, #tpu.memory_space<hbm>>)
      tpu.yield
    }) : () -> ()
    %add3A_61 = arith.constant 560 : i32
    %add3A_62 = arith.addi %mul3A_5, %add3A_61 : i32
    %add3A_63 = arith.constant 560 : i32
    %add3A_64 = arith.addi %add3A_32, %add3A_63 : i32
    "tpu.region"() ({
      %run_scoped3A_65 = tpu.sem_alloc : memref<!tpu.dma_semaphore, #tpu.memory_space<semaphore_mem>>
      %dma_start3A = arith.constant 0 : i32
      %dma_start3A_66 = tpu.memref_slice %arg6[%add3A_64, %dma_start3A] : memref<20224x80xf32, #tpu.memory_space<hbm>> -> memref<72x80xf32, #tpu.memory_space<hbm>>
      %dma_start3A_67 = arith.constant 0 : i32
      %dma_start3A_68 = tpu.memref_slice %arg15[%add3A_62, %dma_start3A_67] : memref<10112x80xf32, #tpu.memory_space<vmem_shared>> -> memref<72x80xf32, #tpu.memory_space<vmem_shared>>
      tpu.enqueue_dma source(%dma_start3A_68 : memref<72x80xf32, #tpu.memory_space<vmem_shared>>) target(%dma_start3A_66 : memref<72x80xf32, #tpu.memory_space<hbm>>) target_semaphore(%run_scoped3A_65 : memref<!tpu.dma_semaphore, #tpu.memory_space<semaphore_mem>>)
      %dma_wait3A = arith.constant 0 : i32
      %dma_wait3A_69 = tpu.memref_slice %arg6[%add3A_64, %dma_wait3A] : memref<20224x80xf32, #tpu.memory_space<hbm>> -> memref<72x80xf32, #tpu.memory_space<hbm>>
      %dma_wait3A_70 = arith.constant 0 : i32
      %dma_wait3A_71 = tpu.memref_slice %arg15[%add3A_62, %dma_wait3A_70] : memref<10112x80xf32, #tpu.memory_space<vmem_shared>> -> memref<72x80xf32, #tpu.memory_space<vmem_shared>>
      tpu.wait_dma2 semaphore(%run_scoped3A_65 : memref<!tpu.dma_semaphore, #tpu.memory_space<semaphore_mem>>) src(%dma_wait3A_71 : memref<72x80xf32, #tpu.memory_space<vmem_shared>>) dst(%dma_wait3A_69 : memref<72x80xf32, #tpu.memory_space<hbm>>)
      tpu.yield
    }) : () -> ()
    return
  }
}

module attributes {stable_mosaic.version = 14 : i64} {
  func.func @_proj_body(%arg0: memref<10000x128xf32, #tpu.memory_space<vmem>>, %arg1: memref<128x128xf32, #tpu.memory_space<vmem>>, %arg2: memref<256x1xf32, #tpu.memory_space<vmem>>, %arg3: memref<2x10000x64xf32, #tpu.memory_space<vmem>>, %arg4: memref<2x10000xf32, #tpu.memory_space<vmem>>) attributes {dimension_semantics = [], scalar_prefetch = 0 : i64, scratch_operands = 0 : i64, tpu.core_type = #tpu.core_type<tc>} {
    %get3A = arith.constant 0 : index
    %get3A_0 = arith.constant 0 : index
    %get3A_1 = vector.load %arg0[%get3A, %get3A_0] : memref<10000x128xf32, #tpu.memory_space<vmem>>, vector<10000x128xf32>
    %get3A_2 = arith.constant 0 : index
    %get3A_3 = arith.constant 0 : index
    %get3A_4 = vector.load %arg1[%get3A_2, %get3A_3] : memref<128x128xf32, #tpu.memory_space<vmem>>, vector<128x128xf32>
    %dot_general3A = arith.constant dense<0.000000e+00> : vector<10000x128xf32>
    %dot_general3A_5 = tpu.matmul %get3A_1, %get3A_4, %dot_general3A {dimension_numbers = #tpu.dot_dimension_numbers<[1], [0], [0], [1], [0, 0, 1, 1], [], []>, transpose_lhs_hint = false} : vector<10000x128xf32>, vector<128x128xf32>, vector<10000x128xf32> -> vector<10000x128xf32>
    %slice3A = vector.extract_strided_slice %dot_general3A_5 {offsets = [0, 0], sizes = [10000, 64], strides = [1, 1]} : vector<10000x128xf32> to vector<10000x64xf32>
    %swap3A = arith.constant 0 : index
    %swap3A_6 = arith.constant 0 : index
    %swap3A_7 = arith.constant 0 : index
    %swap3A_8 = vector.load %arg3[%swap3A, %swap3A_6, %swap3A_7] : memref<2x10000x64xf32, #tpu.memory_space<vmem>>, vector<1x10000x64xf32>
    %swap3A_9 = vector.shape_cast %swap3A_8 : vector<1x10000x64xf32> to vector<10000x64xf32>
    %swap3A_10 = vector.shape_cast %slice3A : vector<10000x64xf32> to vector<1x10000x64xf32>
    tpu.vector_store %arg3[%swap3A, %swap3A_6, %swap3A_7], %swap3A_10 {strides = array<i32>} : memref<2x10000x64xf32, #tpu.memory_space<vmem>>, vector<1x10000x64xf32>,
    %slice3A_11 = vector.extract_strided_slice %dot_general3A_5 {offsets = [0, 64], sizes = [10000, 64], strides = [1, 1]} : vector<10000x128xf32> to vector<10000x64xf32>
    %swap3A_12 = arith.constant 1 : index
    %swap3A_13 = arith.constant 0 : index
    %swap3A_14 = arith.constant 0 : index
    %swap3A_15 = vector.load %arg3[%swap3A_12, %swap3A_13, %swap3A_14] : memref<2x10000x64xf32, #tpu.memory_space<vmem>>, vector<1x10000x64xf32>
    %swap3A_16 = vector.shape_cast %swap3A_15 : vector<1x10000x64xf32> to vector<10000x64xf32>
    %swap3A_17 = vector.shape_cast %slice3A_11 : vector<10000x64xf32> to vector<1x10000x64xf32>
    tpu.vector_store %arg3[%swap3A_12, %swap3A_13, %swap3A_14], %swap3A_17 {strides = array<i32>} : memref<2x10000x64xf32, #tpu.memory_space<vmem>>, vector<1x10000x64xf32>,
    %get3A_18 = arith.constant 0 : index
    %get3A_19 = arith.constant 0 : index
    %get3A_20 = vector.load %arg2[%get3A_18, %get3A_19] : memref<256x1xf32, #tpu.memory_space<vmem>>, vector<256x1xf32>
    %slice3A_21 = vector.extract_strided_slice %get3A_20 {offsets = [0, 0], sizes = [128, 1], strides = [1, 1]} : vector<256x1xf32> to vector<128x1xf32>
    %slice3A_22 = vector.extract_strided_slice %get3A_20 {offsets = [128, 0], sizes = [128, 1], strides = [1, 1]} : vector<256x1xf32> to vector<128x1xf32>
    %concatenate3A = tpu.concatenate %slice3A_21, %slice3A_22 in 1 : vector<128x1xf32>, vector<128x1xf32> -> vector<128x2xf32>
    %dot_general3A_23 = arith.constant dense<0.000000e+00> : vector<2x10000xf32>
    %dot_general3A_24 = tpu.matmul %concatenate3A, %dot_general3A_5, %dot_general3A_23 {dimension_numbers = #tpu.dot_dimension_numbers<[0], [1], [1], [0], [0, 1, 1, 0], [], []>, transpose_lhs_hint = false} : vector<128x2xf32>, vector<10000x128xf32>, vector<2x10000xf32> -> vector<2x10000xf32>
    %swap3A_25 = arith.constant 0 : index
    %swap3A_26 = arith.constant 0 : index
    %swap3A_27 = vector.load %arg4[%swap3A_25, %swap3A_26] : memref<2x10000xf32, #tpu.memory_space<vmem>>, vector<2x10000xf32>
    tpu.vector_store %arg4[%swap3A_25, %swap3A_26], %dot_general3A_24 {strides = array<i32>} : memref<2x10000xf32, #tpu.memory_space<vmem>>, vector<2x10000xf32>,
    return
  }
}

module attributes {stable_mosaic.version = 14 : i64} {
  func.func @_combine_body(%arg0: memref<20224x80xf32, #tpu.memory_space<vmem>>, %arg1: memref<10000x128xf32, #tpu.memory_space<vmem>>) attributes {dimension_semantics = [], scalar_prefetch = 0 : i64, scratch_operands = 0 : i64, tpu.core_type = #tpu.core_type<tc>} {
    %get3A = arith.constant 0 : index
    %get3A_0 = arith.constant 64 : index
    %get3A_1 = vector.load %arg0[%get3A, %get3A_0] : memref<20224x80xf32, #tpu.memory_space<vmem>>, vector<10000x1xf32>
    %get3A_2 = arith.constant 0 : index
    %get3A_3 = arith.constant 0 : index
    %get3A_4 = vector.load %arg0[%get3A_2, %get3A_3] : memref<20224x80xf32, #tpu.memory_space<vmem>>, vector<10000x64xf32>
    %get3A_5 = arith.constant 10112 : index
    %get3A_6 = arith.constant 0 : index
    %get3A_7 = vector.load %arg0[%get3A_5, %get3A_6] : memref<20224x80xf32, #tpu.memory_space<vmem>>, vector<10000x64xf32>
    %gt3A = arith.constant 0.000000e+00 : f32
    %gt3A_8 = vector.broadcast %gt3A : f32 to vector<10000x1xf32>
    %gt3A_9 = arith.cmpf ogt, %get3A_1, %gt3A_8 : vector<10000x1xf32>
    %jit3A = arith.constant 1.000000e+00 : f32
    %broadcast_in_dim3A = vector.broadcast %jit3A : f32 to vector<10000x1xf32>
    %select_n3A = arith.select %gt3A_9, %get3A_1, %broadcast_in_dim3A : vector<10000x1xi1>, vector<10000x1xf32>
    %concatenate3A = tpu.concatenate %get3A_4, %get3A_7 in 1 : vector<10000x64xf32>, vector<10000x64xf32> -> vector<10000x128xf32>
    %div3A = vector.broadcast %select_n3A : vector<10000x1xf32> to vector<10000x128xf32>
    %div3A_10 = arith.divf %concatenate3A, %div3A : vector<10000x128xf32>
    %gt3A_11 = arith.constant 0.000000e+00 : f32
    %gt3A_12 = vector.broadcast %gt3A_11 : f32 to vector<10000x1xf32>
    %gt3A_13 = arith.cmpf ogt, %get3A_1, %gt3A_12 : vector<10000x1xf32>
    %jit3A_14 = arith.constant 0.000000e+00 : f32
    %broadcast_in_dim3A_15 = vector.shape_cast %gt3A_13 : vector<10000x1xi1> to vector<10000x1xi1>
    %broadcast_in_dim3A_16 = vector.broadcast %broadcast_in_dim3A_15 : vector<10000x1xi1> to vector<10000x128xi1>
    %broadcast_in_dim3A_17 = vector.broadcast %jit3A_14 : f32 to vector<10000x128xf32>
    %select_n3A_18 = arith.select %broadcast_in_dim3A_16, %div3A_10, %broadcast_in_dim3A_17 : vector<10000x128xi1>, vector<10000x128xf32>
    %swap3A = arith.constant 0 : index
    %swap3A_19 = arith.constant 0 : index
    %swap3A_20 = vector.load %arg1[%swap3A, %swap3A_19] : memref<10000x128xf32, #tpu.memory_space<vmem>>, vector<10000x128xf32>
    tpu.vector_store %arg1[%swap3A, %swap3A_19], %select_n3A_18 {strides = array<i32>} : memref<10000x128xf32, #tpu.memory_space<vmem>>, vector<10000x128xf32>,
    return
  }
}

</mosaic_0001>

<sc_bundles>
// kernel: kernel.5.cloned.1.call-start
scs
__scs_entry_jumppad:
0x0: {  	(pc) =	sbr.rel $0x88, $3  }
0x1: {  	(tag) =	ssettag $0x0;
	lr =	simm.s32 $0x1  }
0x2: {  	[smem:$0x3F9D] =	sst lr;
	_ =	strace $0xD0000000  }
0x3: {  	_ = 	snop  }
0x4: {  	_ = 	snop  }
0x5: {  	_ = 	snop  }
0x6: {  	_ = 	snop  }
0x7: {  	_ = 	snop  }
__scs_overlays_trampoline_lowered:
0x8: {  	[smem:$0x3FAC] =	sst s0  }
0x9: {  	[smem:$0x3FAD] =	sst s1  }
0xa: {  	[smem:$0x3FAE] =	sst s2  }
0xb: {  	[smem:$0x3FAF] =	sst s3  }
0xc: {  	[smem:$0x3FB0] =	sst s4  }
0xd: {  	[smem:$0x3FB1] =	sst s5  }
0xe: {  	[smem:$0x3FB2] =	sst s6  }
0xf: {  	[smem:$0x3FB3] =	sst s7  }
0x10: {  	[smem:$0x3FB4] =	sst s8  }
0x11: {  	[smem:$0x3FB5] =	sst s9;
	s0 =	simm.s32 @!p0 $0x0  }
0x12: {  	s1 =	sld [smem:$0x3F9B];
	s0 =	simm.s32 @p0 $0x1  }
0x13: {  	[smem:$0x3FB6] =	sst s0;
	s0 =	simm.s32 @!p1 $0x0  }
0x14: {  	s2 =	sld [smem:$0x3F9A];
	s0 =	simm.s32 @p1 $0x1  }
0x15: {  	[smem:$0x3FB7] =	sst s0;
	s0 =	simm.s32 @!p2 $0x0  }
0x16: {  	s3 =	sld [smem:$0x3FDB];
	s0 =	simm.s32 @p2 $0x1  }
0x17: {  	s4 =	simm.s32 $0x1BF5;
	[smem:$0x3FB9] =	sst s0  }
0x18: {  	s0 =	sld [smem:$0x3F9C];
	_ =	swait.ge [sflag:s4], $0x0  }
0x19: {  	s7 =	sld [smem:$0x3F9D]  }
0x1a: {  	s8 =	sadd.s32 $0xFFFFE003, lr  }
0x1b: {  	s9 =	sadd.s32 $0xFFFFFEF7, lr;
	s5 =	simm.s32 $0xFFFFFFFF;
	p2 =	slt.u32 s8, $0xFFFFF086  }
0x1c: {  	p1 =	slt.u32 s9, $0xF7A;
	s5 =	simm.s32 @!p2 $0x0  }
0x1d: {  	s5 =	simm.s32 @p1 $0x1;
	p0 =	seq.s32 s7, s2  }
0x1e: {  	s7 =	smul.u32 @!p0 $0xF7A, s2;
	p2 =	seq.s32 @!p0 s5, $0x0  }
0x1f: {  	s9 =	smul.u32 $0xF7A, s1;
	s8 =	simm.s32 @!p0 $0x1BF5;
	p2 =	por !p2, p0  }
0x20: {  	[sflag:s8] =	ssyncset.s32 @!p0 $0xFFFFF086;
	s6 =	sadd.s32 @!p0 s3, s7;
	s7 =	simm.s32 @!p0 $0x108  }
0x21: {  	s3 =	sadd.s32 s3, s9;
	s6 =	sadd.s32 @!p0 $0x88, s6;
	s7 =	simm.s32 @p2 $0x1082  }
0x22: {  	[simem:s7], [sflag:s8] =	dma.local @!p0 [hbm:s6], $0xF7A  }
0x23: {  	s9 =	sor.u32 $0xD0000000, s2;
	s6 =	simm.s32 $0x108;
	_ =	swait.ge @!p0 [sflag:s8], $0x0  }
0x24: {  	s3 =	sadd.s32 $0x88, s3;
	s6 =	simm.s32 @!p1 $0x1082;
	[sflag:s4] =	ssyncset.s32 $0xFFFFF086  }
0x25: {  	[simem:s6], [sflag:s4] =	dma.local [hbm:s3], $0xF7A  }
0x26: {  	[smem:$0x3F9D] =	sst s1;
	(tag) =	ssettag s2;
	_ =	strace s9  }
0x27: {  	s1 =	sld [smem:$0x3FAD]  }
0x28: {  	s2 =	sld [smem:$0x3FAE]  }
0x29: {  	s4 =	sld [smem:$0x3FB0]  }
0x2a: {  	p0 =	seq.s32 s5, $0x0;
	s5 =	sld [smem:$0x3FB1]  }
0x2b: {  	s6 =	sld [smem:$0x3FB2]  }
0x2c: {  	s7 =	sld [smem:$0x3FB3]  }
0x2d: {  	s3 =	simm.s32 $0x108;
	s8 =	sld [smem:$0x3FB4]  }
0x2e: {  	s3 =	simm.s32 @!p0 $0x1082;
	s9 =	sld [smem:$0x3FB5]  }
0x2f: {  	lr =	sadd.s32 s0, s3;
	s0 =	sld [smem:$0x3FAC]  }
0x30: {  	s3 =	sld [smem:$0x3FAF]  }
0x31: {  	[smem:$0x3FB8] =	sst s10  }
0x32: {  	s10 =	sld [smem:$0x3FB6];
	_ =	sdelay $0x3  }
0x33: {  	p0 =	seq.s32 s10, $0x1;
	s10 =	sld [smem:$0x3FB8];
	_ =	sdelay $0x3  }
0x34: {  	[smem:$0x3FB8] =	sst s10  }
0x35: {  	s10 =	sld [smem:$0x3FB7];
	_ =	sdelay $0x3  }
0x36: {  	p1 =	seq.s32 s10, $0x1;
	s10 =	sld [smem:$0x3FB8];
	_ =	sdelay $0x3  }
0x37: {  	[smem:$0x3FB8] =	sst s10  }
0x38: {  	s10 =	sld [smem:$0x3FB9]  }
0x39: {  	_ = 	snop;
	(pc) =	sbr.ind lr, $3  }
0x3a: {  	_ = 	snop  }
0x3b: {  	_ = 	snop  }
0x3c: {  	p2 =	seq.s32 s10, $0x1;
	s10 =	sld [smem:$0x3FB8]  }
0x3d: {  	_ =	shalt  }
0x3e: {  	_ =	shalt  }
0x3f: {  	_ =	shalt  }
0x40: {  	_ =	shalt  }
0x41: {  	_ =	shalt  }
0x42: {  	_ =	shalt  }
0x43: {  	_ =	shalt  }
0x44: {  	_ =	shalt  }
0x45: {  	_ =	shalt  }
0x46: {  	_ =	shalt  }
0x47: {  	_ =	shalt  }
0x48: {  	_ =	shalt  }
0x49: {  	_ =	shalt  }
0x4a: {  	_ =	shalt  }
0x4b: {  	_ =	shalt  }
0x4c: {  	_ =	shalt  }
0x4d: {  	_ =	shalt  }
0x4e: {  	_ =	shalt  }
0x4f: {  	_ =	shalt  }
0x50: {  	_ =	shalt  }
0x51: {  	_ =	shalt  }
0x52: {  	_ =	shalt  }
0x53: {  	_ =	shalt  }
0x54: {  	_ =	shalt  }
0x55: {  	_ =	shalt  }
0x56: {  	_ =	shalt  }
0x57: {  	_ =	shalt  }
0x58: {  	_ =	shalt  }
0x59: {  	_ =	shalt  }
0x5a: {  	_ =	shalt  }
0x5b: {  	_ =	shalt  }
0x5c: {  	_ =	shalt  }
0x5d: {  	_ =	shalt  }
0x5e: {  	_ =	shalt  }
0x5f: {  	_ =	shalt  }
0x60: {  	_ =	shalt  }
0x61: {  	_ =	shalt  }
0x62: {  	_ =	shalt  }
0x63: {  	_ =	shalt  }
0x64: {  	_ =	shalt  }
0x65: {  	_ =	shalt  }
0x66: {  	_ =	shalt  }
0x67: {  	_ =	shalt  }
0x68: {  	_ =	shalt  }
0x69: {  	_ =	shalt  }
0x6a: {  	_ =	shalt  }
0x6b: {  	_ =	shalt  }
0x6c: {  	_ =	shalt  }
0x6d: {  	_ =	shalt  }
0x6e: {  	_ =	shalt  }
0x6f: {  	_ =	shalt  }
0x70: {  	_ =	shalt  }
0x71: {  	_ =	shalt  }
0x72: {  	_ =	shalt  }
0x73: {  	_ =	shalt  }
0x74: {  	_ =	shalt  }
0x75: {  	_ =	shalt  }
0x76: {  	_ =	shalt  }
0x77: {  	_ =	shalt  }
0x78: {  	_ =	shalt  }
0x79: {  	_ =	shalt  }
0x7a: {  	_ =	shalt  }
0x7b: {  	_ =	shalt  }
0x7c: {  	_ =	shalt  }
0x7d: {  	_ =	shalt  }
0x7e: {  	_ =	shalt  }
0x7f: {  	_ =	shalt  }
0x80: {  	_ =	shalt  }
0x81: {  	_ =	shalt  }
0x82: {  	_ =	shalt  }
0x83: {  	_ =	shalt  }
0x84: {  	_ =	shalt  }
0x85: {  	_ =	shalt  }
0x86: {  	_ =	shalt  }
0x87: {  	_ =	shalt  }
.Lfunc_end0:
.L_simem_size_0:
called_computation_lowered:
.L_overlay_start_0:
0x88: {  	s2 =	sld [smem:$0x3FD9]  }
0x89: {  	s3 =	sld [smem:$0x3FFE];
	_ =	sdelay $0x1  }
0x8a: {  	s1 =	srdreg.scid  }
0x8b: {  	s0 =	sand.u32 $0x1, s1  }
0x8c: {  	s17 =	sshll.u32 s0, $0xA;
	s2 =	sadd.s32 s3, s2  }
0x8d: {  	s2 =	sadd.s32 s2, s17  }
0x8e: {  	[smem:$0x3FC4] =	sst s2  }
0x8f: {  	_ = 	snop  }
0x90: {  	s2 =	sld [smem:$0x3FD0];
	(tm) =	ssettm $0x1  }
0x91: {  	s18 =	sld [smem:$0x3FFB];
	_ =	sdelay $0x3  }
0x92: {  	_ =	strace s18  }
0x93: {  	s3 =	sld [smem:$0x3FFC];
	_ =	sdelay $0x3  }
0x94: {  	_ =	strace s3  }
0x95: {  	s3 =	sld [smem:$0x3FFD];
	_ =	sdelay $0x3  }
0x96: {  	_ =	strace s3  }
0x97: {  	_ =	strace $0x8FFFFFFF  }
0x98: {  	s19 =	sld [smem:$0x3FDB];
	_ =	sdelay $0x1  }
0x99: {  	s4 =	simm.s32 $_scs_section_size  }
0x9a: {  	s5 =	simm.s32 $_size__tile_overlayer_lowered;
	s6 =	simm.s32 $_tile_overlayer_lowered  }
0x9b: {  	s22 =	simm.s32 $0x1BFF;
	s21 =	sshll.u32 s6, $0x1;
	s3 =	sadd.s32 s4, s19  }
0x9c: {  	s7 =	simm.s32 $0x0;
	s20 =	sshll.u32 s5, $0x1;
	s5 =	sadd.s32 s21, s3  }
0x9d: {  	[timem:s7], [sflag:s22] =	dma.local [hbm:s5], s20  }
0x9e: {  	_ =	swait.ge [sflag:s22], s20  }
0x9f: {  	s4 =	ssub.s32 $0x0, s20;
	[sflag:s22] =	ssyncset.done $0x0  }
0xa0: {  	[sflag:s22] =	ssyncadd.s32 s4;
	_ =	sdelay $0x1  }
0xa1: {  	s23 =	simm.s32 $0x1B8B  }
0xa2: {  	_ =	swait.ge [sflag:s23], $0x1  }
0xa3: {  	[sflag:s23] =	ssyncset.done $0x0  }
0xa4: {  	s25 =	simm.s32 $0x1B8E;
	s24 =	sld [smem:$0x3FFE];
	[sflag:s23] =	ssyncadd.s32 $0xFFFFFFFF  }
0xa5: {  	s26 =	simm.s32 $execute0_lowered;
	[smem:$0x3FD2] =	sst s25  }
0xa6: {  	s5 =	sshll.u32 s26, $0x1;
	_ =	strace $0x80000046;
	[dreg:$0x1] =	wrdreg $0xFFFFFFFF  }
0xa7: {  	s28 =	simm.s32 $_size_execute0_lowered;
	s3 =	sadd.s32 s3, s5;
	[dreg:$0x0] =	wrdreg $0x0  }
0xa8: {  	s5 =	sshll.u32 s28, $0x1;
	[dreg:$0x2] =	wrdreg s3  }
0xa9: {  	[dreg:$0x3] =	wrdreg s5  }
0xaa: {  	[dreg:$0x4] =	wrdreg $0xC0  }
0xab: {  	_ =	task [dreg:s7], $0x5FFFF  }
0xac: {  	[dreg:$0x1] =	wrdreg $0xFFFFFFFF  }
0xad: {  	[dreg:$0x0] =	wrdreg $0x60  }
0xae: {  	[dreg:$0x2] =	wrdreg s2  }
0xaf: {  	[dreg:$0x3] =	wrdreg s24  }
0xb0: {  	[dreg:$0x4] =	wrdreg $0x118000  }
0xb1: {  	[dreg:$0x5] =	wrdreg $0x9  }
0xb2: {  	_ =	task.clear_ibuf [dreg:s7], $0x6FFFF;
	_ =	strace $0x90000046  }
0xb3: {  	s29 =	simm.s32 $0x9;
	_ =	strace $0x80000048  }
0xb4: {  	_ =	swait.ge [sflag:s29], $0x1  }
0xb5: {  	[sflag:s29] =	ssyncadd.s32 $0xFFFFFFFF  }
0xb6: {  	_ =	strace $0x90000048  }
0xb7: {  	_ =	sfence  }
0xb8: {  	s30 =	sld [smem:$0x0];
	_ =	sdelay $0x2  }
0xb9: {  	s31 =	sshll.u32 s1, $0xD;
	s1 =	sshrl.u32 s1, $0x2  }
0xba: {  	s3 =	sand.u32 $0x4000, s31;
	s1 =	sadd.s32 s1, s30  }
0xbb: {  	s0 =	sor.u32 s3, s0;
	s1 =	sshll.u32 s1, $0x11  }
0xbc: {  	s0 =	sor.u32 s1, s0  }
0xbd: {  	s0 =	sadd.s32 $0x8F2B, s0  }
0xbe: {  	[sflag:s0] =	ssyncadd.remote.s32 $0x1  }
0xbf: {  	_ =	sfence.sel $0xFFFF  }
0xc0: {  	[dreg:$0x0] =	wrdreg $0xFFFFFFFF;
	(pc) =	sbr.abs _section_cstart, $3  }
0xc1: {  	[dreg:$0x1] =	wrdreg $0xFFFFFFFF  }
0xc2: {  	_ =	task.clear_ibuf [dreg:s7], $0x2FFFF;
	_ =	strace $0x9FFFFFFF  }
0xc3: {  	(tm) =	ssettm $0x7FFFFFFF  }
tec
execute0_lowered:
.L_overlay_start_1:
0x0: {  	(tag) =	ssettag $0x1  }
0x1: {  	s0 =	rddreg [dreg:$0x0]  }
0x2: {  	s1 =	rddreg [dreg:$0x1]  }
0x3: {  	s2 =	rddreg [dreg:$0x2];
	s3 =	simm.s32 $0x0  }
0x4: {  	s8 =	stileid.u32;
	s5 =	srdreg.scid;
	s28 =	simm.s32 $0x2  }
0x5: {  	s29 =	simm.s32 $0x2710;
	s30 =	simm.s32 $0x1;
	s4 =	smul.u32 $0x9C4, s8  }
0x6: {  	s31 =	simm.s32 $0x117B0;
	[smem:$0x7FF] =	sst s3;
	s19 =	smul.u32 $0x31600, s8  }
0x7: {  	s6 =	sadd.s32 $0x400, s1;
	s10 =	sand.u32 $0x1, s5;
	s11 =	smul.u32 $0x278, s8  }
0x8: {  	s13 =	sadd.s32 $0x14A00, s1;
	_ =	strace $0x80000047;
	s12 =	smul.u32 $0x2780, s10  }
0x9: {  	[dreg:$0x4] =	wrdreg s6;
	s20 =	ssub.s32 $0x2, s10;
	s15 =	smul.u32 $0x13880, s10  }
0xa: {  	s4 =	sadd.s32 s4, s1;
	s7 =	sshrl.u32 s20, $0x1;
	s5 =	sshrl.u32 s19, $0x2  }
0xb: {  	s1 =	sadd.s32 $0x8E2, s1;
	s14 =	ssub.s32 s20, s7;
	s5 =	sadd.s32 s5, s2  }
0xc: {  	s16 =	sadd.s32 s11, s12;
	[dreg:$0x5] =	wrdreg s1;
	s22 =	sadd.s32 $0xAC00, s4  }
0xd: {  	s4 =	sadd.s32 $0xE00, s4;
	s1 =	simm.s32 $0xEAB0;
	s6 =	sadd.s32 $0x1900, s5  }
0xe: {  	s7 =	sadd.s32 $0x3200, s5;
	s8 =	sadd.s32 $0x4B00, s5;
	s9 =	sadd.s32 $0x6400, s5  }
0xf: {  	s10 =	sadd.s32 $0x7D00, s5;
	s11 =	sadd.s32 $0x9600, s5;
	s17 =	smul.u32 $0x50, s16  }
0x10: {  	s12 =	sadd.s32 $0xAF00, s5;
	s21 =	smul.u32 $0xA, s16;
	[dreg:$0x6] =	wrdreg s22  }
0x11: {  	[dreg:$0x7] =	wrdreg s4;
	s16 =	sadd.s32 s0, s15;
	s23 =	sshrl.u32 s17, $0x3  }
0x12: {  	s0 =	simm.s32 $0x50;
	s24 =	sadd.s32 s13, s21;
	s25 =	sadd.s32 s13, s23  }
0x13: {  	s4 =	simm.s32 $0xEA60;
	[dreg:$0x8] =	wrdreg s24;
	s26 =	sadd.s32 $0x320, s25  }
0x14: {  	s19 =	sadd.s32 $0x640, s25;
	s20 =	sadd.s32 $0x960, s25;
	s21 =	sadd.s32 $0xC80, s25  }
0x15: {  	s22 =	sadd.s32 $0xFA0, s25;
	s23 =	sadd.s32 $0x12C0, s25;
	s24 =	sadd.s32 $0x15E0, s25  }
0x16: {  	v0 =	vimm.f32 $0.0e+00;
	vm0 =	vmmov $0x1;
	s25 =	smax.u32 s14, $0x1;
	[dreg:$0x9] =	wrdreg s26;
	s26 =	simm.s32 $0xFEB0  }
.LBB2_1:
0x17: {  	s14 =	simm.s32 $0x140;
	s13 =	simm.s32 $0x0  }
.LBB2_2:
0x18: {  	p0 =	sne.s32 s14, $0x62C0;
	[tilespmem:s13+$0xFEF0] =	vst v0;
	s15 =	smov.u32 s14;
	s14 =	sadd.s32 $0x140, s14  }
.Ltmp0:
0x19: {  	[tilespmem:s13+$0xFEE0] =	vst v0;
	(pc) =	sbr.rel @p0 .LBB2_2-.Ltmp0, $4  }
0x1a: {  	[tilespmem:s13+$0xFED0] =	vst v0  }
0x1b: {  	[tilespmem:s13+$0xFEB0] =	vst v0  }
0x1c: {  	[tilespmem:s13+$0xFEC0] =	vst v0  }
0x1d: {  	s13 =	sshra.s32 s15, $0x2  }
0x1e: {  	[tilespmem:s13+$0xFEF0] =	vst v0  }
0x1f: {  	[tilespmem:s13+$0xFEE0] =	vst v0  }
0x20: {  	[tilespmem:s13+$0xFED0] =	vst v0  }
0x21: {  	[tilespmem:s13+$0xFEB0] =	vst v0  }
0x22: {  	[tilespmem:s13+$0xFEC0] =	vst v0  }
0x23: {  	[spmem:s5] =	stream.linear.scatter [tilespmem:s26], [sflag:$0x2], $0x1900, $0x38;
	[tilespmem:$0x1DD80] =	vst v63  }
0x24: {  	_ =	swait.ge [sflag:s28], $0x1900  }
0x25: {  	[sflag:s28] =	ssyncset.done $0x0  }
0x26: {  	[sflag:s28] =	ssyncadd.s32 $0xFFFFE700  }
0x27: {  	[spmem:s6] =	stream.linear.scatter [tilespmem:s26], [sflag:$0x2], $0x1900, $0x38;
	[tilespmem:$0x1DD80] =	vst v63  }
0x28: {  	_ =	swait.ge [sflag:s28], $0x1900  }
0x29: {  	[sflag:s28] =	ssyncset.done $0x0  }
0x2a: {  	[sflag:s28] =	ssyncadd.s32 $0xFFFFE700  }
0x2b: {  	[spmem:s7] =	stream.linear.scatter [tilespmem:s26], [sflag:$0x2], $0x1900, $0x38;
	[tilespmem:$0x1DD80] =	vst v63  }
0x2c: {  	_ =	swait.ge [sflag:s28], $0x1900  }
0x2d: {  	[sflag:s28] =	ssyncset.done $0x0  }
0x2e: {  	[sflag:s28] =	ssyncadd.s32 $0xFFFFE700  }
0x2f: {  	[spmem:s8] =	stream.linear.scatter [tilespmem:s26], [sflag:$0x2], $0x1900, $0x38;
	[tilespmem:$0x1DD80] =	vst v63  }
0x30: {  	_ =	swait.ge [sflag:s28], $0x1900  }
0x31: {  	[sflag:s28] =	ssyncset.done $0x0  }
0x32: {  	[sflag:s28] =	ssyncadd.s32 $0xFFFFE700  }
0x33: {  	[spmem:s9] =	stream.linear.scatter [tilespmem:s26], [sflag:$0x2], $0x1900, $0x38;
	[tilespmem:$0x1DD80] =	vst v63  }
0x34: {  	_ =	swait.ge [sflag:s28], $0x1900  }
0x35: {  	[sflag:s28] =	ssyncset.done $0x0  }
0x36: {  	[sflag:s28] =	ssyncadd.s32 $0xFFFFE700  }
0x37: {  	[spmem:s10] =	stream.linear.scatter [tilespmem:s26], [sflag:$0x2], $0x1900, $0x38;
	[tilespmem:$0x1DD80] =	vst v63  }
0x38: {  	_ =	swait.ge [sflag:s28], $0x1900  }
0x39: {  	[sflag:s28] =	ssyncset.done $0x0  }
0x3a: {  	[sflag:s28] =	ssyncadd.s32 $0xFFFFE700  }
0x3b: {  	[spmem:s11] =	stream.linear.scatter [tilespmem:s26], [sflag:$0x2], $0x1900, $0x38;
	[tilespmem:$0x1DD80] =	vst v63  }
0x3c: {  	_ =	swait.ge [sflag:s28], $0x1900  }
0x3d: {  	[sflag:s28] =	ssyncset.done $0x0  }
0x3e: {  	[sflag:s28] =	ssyncadd.s32 $0xFFFFE700  }
0x3f: {  	[spmem:s12] =	stream.linear.scatter [tilespmem:s26], [sflag:$0x2], $0x1680, $0x38;
	[tilespmem:$0x1DD80] =	vst v63  }
0x40: {  	_ =	swait.ge [sflag:s28], $0x1680  }
0x41: {  	[sflag:s28] =	ssyncset.done $0x0  }
0x42: {  	s13 =	simm.s32 $0x0;
	s14 =	rddreg [dreg:$0x4];
	[sflag:s28] =	ssyncadd.s32 $0xFFFFE980  }
0x43: {  	[tilespmem:s13], [sflag:$0x2] =	stream.linear.gather [hbm4b:s14+s13], $0x2710, $0x38;
	[tilespmem:$0x1DD80] =	vst v63  }
0x44: {  	_ =	swait.ge [sflag:s28], $0x2710  }
0x45: {  	[sflag:s28] =	ssyncset.done $0x0  }
0x46: {  	s17 =	rddreg [dreg:$0x5];
	[sflag:s28] =	ssyncadd.s32 $0xFFFFD8F0  }
0x47: {  	[tilespmem:s29], [sflag:$0x2] =	stream.linear.gather [hbm4b:s17+s13], $0x2710, $0x38;
	[tilespmem:$0x1DD80] =	vst v63  }
0x48: {  	_ =	swait.ge [sflag:s28], $0x2710  }
0x49: {  	[sflag:s28] =	ssyncset.done $0x0  }
0x4a: {  	s15 =	simm.s32 $0x4E20;
	s18 =	rddreg [dreg:$0x6];
	[sflag:s28] =	ssyncadd.s32 $0xFFFFD8F0  }
0x4b: {  	[tilespmem:s15], [sflag:$0x2] =	stream.linear.gather [hbm4b:s18+s13], $0x4E20, $0x38;
	[tilespmem:$0x1DD80] =	vst v63  }
0x4c: {  	_ =	swait.ge [sflag:s28], $0x4E20  }
0x4d: {  	[sflag:s28] =	ssyncset.done $0x0  }
0x4e: {  	s18 =	simm.s32 $0x9C40;
	s17 =	rddreg [dreg:$0x7];
	[sflag:s28] =	ssyncadd.s32 $0xFFFFB1E0  }
0x4f: {  	[tilespmem:s18], [sflag:$0x2] =	stream.linear.gather [hbm4b:s17+s13], $0x4E20, $0x38;
	[tilespmem:$0x1DD80] =	vst v63  }
0x50: {  	_ =	swait.ge [sflag:s28], $0x4E20  }
0x51: {  	[sflag:s28] =	ssyncset.done $0x0  }
0x52: {  	[sflag:s28] =	ssyncadd.s32 $0xFFFFB1E0  }
0x53: {  	s14 =	simm.s32 $0x0;
	[bflag:$0x0] =	sbarrier.arrive $0xFFFF  }
.LBB2_4:
0x54: {  	s15 =	smul.u32 $0x50, s14;
	_ =	sdelay $0x1  }
0x55: {  	s17 =	sadd.s32 $0x4E20, s15  }
0x56: {  	[tilespmem:s1], [sflag:$0x1] =	stream.indirect.gather [hbm4b:s16+s0], $0x40, s17, s0, $0xb8;
	[tilespmem:$0x1DD80] =	vst v63  }
0x57: {  	v1 =	vld [tilespmem:s15+$0x4E20]  }
0x58: {  	v2 =	vld [tilespmem:s15+$0x9C40];
	_ =	sdelay $0x5  }
0x59: {  	[tilespmem:$0xEA60] =	vst v2  }
0x5a: {  	v1 =	vld.idx.msk [tilespmem:v1+s13+$0x0], $0xffff  }
0x5b: {  	v2 =	vld.idx.msk [tilespmem:v2+s29+$0x0], $0xffff;
	_ =	sdelay $0x4  }
0x5c: {  	v1 =	vadd.f32 v2, v1;
	_ =	sdelay $0x1  }
0x5d: {  	v2 =	vmul.f32 $9.999999770e-03, v1  }
0x5e: {  	vm1 =	vge.f32 v1, $0.0e+00  }
0x5f: {  	v1 =	vsel vm1, v1, v2  }
0x60: {  	v2 =	vmul.f32 $1.442695020e+00, v1  }
0x61: {  	vm1 =	veq.f32 v1, $0.0e+00  }
0x62: {  	v1 =	vsel vm1, $0xC4B4563E, v2  }
0x63: {  	(erf) = vpow2.f32 v1;
	_ =	sdelay $0x8  }
0x64: {  	v1 =	vpop (erf)  }
0x65: {  	[tilespmem:$0x117B0] =	vst v1  }
0x66: {  	v1 =	vld [tilespmem:s15+$0x4E30]  }
0x67: {  	v2 =	vld [tilespmem:s15+$0x9C50];
	_ =	sdelay $0x5  }
0x68: {  	[tilespmem:$0xEA70] =	vst v2  }
0x69: {  	v1 =	vld.idx.msk [tilespmem:v1+s13+$0x0], $0xffff  }
0x6a: {  	v2 =	vld.idx.msk [tilespmem:v2+s29+$0x0], $0xffff;
	_ =	sdelay $0x4  }
0x6b: {  	v1 =	vadd.f32 v2, v1;
	_ =	sdelay $0x1  }
0x6c: {  	v2 =	vmul.f32 $9.999999770e-03, v1  }
0x6d: {  	vm1 =	vge.f32 v1, $0.0e+00  }
0x6e: {  	v1 =	vsel vm1, v1, v2  }
0x6f: {  	v2 =	vmul.f32 $1.442695020e+00, v1  }
0x70: {  	vm1 =	veq.f32 v1, $0.0e+00  }
0x71: {  	v1 =	vsel vm1, $0xC4B4563E, v2  }
0x72: {  	(erf) = vpow2.f32 v1;
	_ =	sdelay $0x8  }
0x73: {  	v1 =	vpop (erf)  }
0x74: {  	[tilespmem:$0x117C0] =	vst v1  }
0x75: {  	v1 =	vld [tilespmem:s15+$0x4E40]  }
0x76: {  	v2 =	vld [tilespmem:s15+$0x9C60];
	_ =	sdelay $0x5  }
0x77: {  	[tilespmem:$0xEA80] =	vst v2  }
0x78: {  	v1 =	vld.idx.msk [tilespmem:v1+s13+$0x0], $0xffff  }
0x79: {  	v2 =	vld.idx.msk [tilespmem:v2+s29+$0x0], $0xffff;
	_ =	sdelay $0x4  }
0x7a: {  	v1 =	vadd.f32 v2, v1;
	_ =	sdelay $0x1  }
0x7b: {  	v2 =	vmul.f32 $9.999999770e-03, v1  }
0x7c: {  	vm1 =	vge.f32 v1, $0.0e+00  }
0x7d: {  	v1 =	vsel vm1, v1, v2  }
0x7e: {  	v2 =	vmul.f32 $1.442695020e+00, v1  }
0x7f: {  	vm1 =	veq.f32 v1, $0.0e+00  }
0x80: {  	v1 =	vsel vm1, $0xC4B4563E, v2  }
0x81: {  	(erf) = vpow2.f32 v1;
	_ =	sdelay $0x8  }
0x82: {  	v1 =	vpop (erf)  }
0x83: {  	[tilespmem:$0x117D0] =	vst v1  }
0x84: {  	v1 =	vld [tilespmem:s15+$0x4E50]  }
0x85: {  	v2 =	vld [tilespmem:s15+$0x9C70];
	_ =	sdelay $0x5  }
0x86: {  	[tilespmem:$0xEA90] =	vst v2  }
0x87: {  	v1 =	vld.idx.msk [tilespmem:v1+s13+$0x0], $0xffff  }
0x88: {  	v2 =	vld.idx.msk [tilespmem:v2+s29+$0x0], $0xffff;
	_ =	sdelay $0x4  }
0x89: {  	v1 =	vadd.f32 v2, v1;
	_ =	sdelay $0x1  }
0x8a: {  	v2 =	vmul.f32 $9.999999770e-03, v1  }
0x8b: {  	vm1 =	vge.f32 v1, $0.0e+00  }
0x8c: {  	v1 =	vsel vm1, v1, v2  }
0x8d: {  	v2 =	vmul.f32 $1.442695020e+00, v1  }
0x8e: {  	vm1 =	veq.f32 v1, $0.0e+00  }
0x8f: {  	v1 =	vsel vm1, $0xC4B4563E, v2  }
0x90: {  	(erf) = vpow2.f32 v1;
	_ =	sdelay $0x8  }
0x91: {  	v1 =	vpop (erf)  }
0x92: {  	[tilespmem:$0x117E0] =	vst v1  }
0x93: {  	v1 =	vld [tilespmem:s15+$0x4E60]  }
0x94: {  	v2 =	vld [tilespmem:s15+$0x9C80];
	_ =	sdelay $0x5  }
0x95: {  	[tilespmem:$0xEAA0] =	vst v2  }
0x96: {  	v1 =	vld.idx.msk [tilespmem:v1+s13+$0x0], $0xffff  }
0x97: {  	v2 =	vld.idx.msk [tilespmem:v2+s29+$0x0], $0xffff;
	_ =	sdelay $0x4  }
0x98: {  	v1 =	vadd.f32 v2, v1;
	_ =	sdelay $0x1  }
0x99: {  	v2 =	vmul.f32 $9.999999770e-03, v1  }
0x9a: {  	vm1 =	vge.f32 v1, $0.0e+00  }
0x9b: {  	v1 =	vsel vm1, v1, v2  }
0x9c: {  	v2 =	vmul.f32 $1.442695020e+00, v1  }
0x9d: {  	vm1 =	veq.f32 v1, $0.0e+00  }
0x9e: {  	v1 =	vsel vm1, $0xC4B4563E, v2  }
0x9f: {  	(erf) = vpow2.f32 v1;
	_ =	sdelay $0x8  }
0xa0: {  	v2 =	vmov s13;
	v1 =	vpop (erf)  }
0xa1: {  	[tilespmem:$0x117F0] =	vst v1  }
0xa2: {  	_ =	swait.ge [sflag:s30], $0x1400  }
0xa3: {  	[sflag:s30] =	ssyncset.done $0x0  }
0xa4: {  	[sflag:s30] =	ssyncadd.s32 $0xFFFFEC00  }
0xa5: {  	s15 =	simm.s32 $0xEAD0;
	v1 =	vld.idx.msk [tilespmem:v2+s31+$0x0], $0xffff  }
0xa6: {  	v2 =	vld [tilespmem:s15+$0xFFFFFFE0];
	_ =	sdelay $0x4  }
0xa7: {  	v2 =	vmul.f32 v2, v1  }
0xa8: {  	s17 =	simm.s32 $0xFED0  }
0xa9: {  	[tilespmem:s17+$0xFFFFFFE0] =	vst v2  }
0xaa: {  	v2 =	vld [tilespmem:s15+$0xFFFFFFF0];
	_ =	sdelay $0x4  }
0xab: {  	v2 =	vmul.f32 v2, v1;
	_ =	sdelay $0x1  }
0xac: {  	[tilespmem:s17+$0xFFFFFFF0] =	vst v2  }
0xad: {  	v2 =	vld [tilespmem:s15+$0x0];
	_ =	sdelay $0x4  }
0xae: {  	v2 =	vmul.f32 v2, v1;
	_ =	sdelay $0x1  }
0xaf: {  	[tilespmem:s17+$0x0] =	vst v2  }
0xb0: {  	v2 =	vld [tilespmem:s15+$0x10];
	_ =	sdelay $0x1  }
0xb1: {  	s18 =	simm.s32 $0x1;
	v3 =	vnsel vm0, $0x0, v1  }
0xb2: {  	[tilespmem:s17+$0x20] =	vst v3;
	v3 =	vmov s18;
	s18 =	simm.s32 $0x2  }
.LBB2_5:
0xb3: {  	p0 =	sne.s32 s18, $0x4F  }
0xb4: {  	v1 =	vmul.f32 v2, v1;
	_ =	sdelay $0x1  }
0xb5: {  	[tilespmem:s17+$0x10] =	vst v1  }
0xb6: {  	s15 =	sadd.s32 $0x40, s15;
	v1 =	vld.idx.msk [tilespmem:v3+s31+$0x0], $0xffff  }
0xb7: {  	v2 =	vld [tilespmem:s15+$0xFFFFFFE0];
	_ =	sdelay $0x4  }
0xb8: {  	v3 =	vnsel vm0, $0x0, v1;
	v2 =	vmul.f32 v2, v1  }
0xb9: {  	s17 =	sadd.s32 $0x50, s17  }
0xba: {  	[tilespmem:s17+$0xFFFFFFE0] =	vst v2  }
0xbb: {  	v2 =	vld [tilespmem:s15+$0xFFFFFFF0];
	_ =	sdelay $0x4  }
0xbc: {  	v2 =	vmul.f32 v2, v1;
	_ =	sdelay $0x1  }
0xbd: {  	[tilespmem:s17+$0xFFFFFFF0] =	vst v2  }
0xbe: {  	v2 =	vld [tilespmem:s15+$0x0];
	_ =	sdelay $0x4  }
0xbf: {  	v2 =	vmul.f32 v2, v1;
	_ =	sdelay $0x1  }
.Ltmp1:
0xc0: {  	[tilespmem:s17+$0x0] =	vst v2;
	(pc) =	sbr.rel @p0 .LBB2_5-.Ltmp1, $2  }
0xc1: {  	v2 =	vld [tilespmem:s15+$0x10];
	[tilespmem:s17+$0x20] =	vst v3;
	_ =	sdelay $0x2  }
0xc2: {  	v3 =	vmov s18;
	s18 =	sadd.s32 $0x1, s18  }
0xc3: {  	_ = 	snop  }
0xc4: {  	v1 =	vmul.f32 v2, v1;
	_ =	sdelay $0x1  }
0xc5: {  	[tilespmem:s17+$0x10] =	vst v1  }
0xc6: {  	s15 =	sadd.s32 $0x40, s15;
	v1 =	vld.idx.msk [tilespmem:v3+s31+$0x0], $0xffff  }
0xc7: {  	v2 =	vld [tilespmem:s15+$0xFFFFFFE0];
	_ =	sdelay $0x4  }
0xc8: {  	v2 =	vmul.f32 v2, v1  }
0xc9: {  	s18 =	sadd.s32 $0x50, s17  }
0xca: {  	[tilespmem:s18+$0xFFFFFFE0] =	vst v2  }
0xcb: {  	v2 =	vld [tilespmem:s15+$0xFFFFFFF0];
	_ =	sdelay $0x4  }
0xcc: {  	v2 =	vmul.f32 v2, v1;
	_ =	sdelay $0x1  }
0xcd: {  	[tilespmem:s18+$0xFFFFFFF0] =	vst v2  }
0xce: {  	v2 =	vld [tilespmem:s15+$0x0];
	_ =	sdelay $0x4  }
0xcf: {  	v2 =	vmul.f32 v2, v1;
	_ =	sdelay $0x1  }
0xd0: {  	[tilespmem:s18+$0x0] =	vst v2  }
0xd1: {  	v2 =	vld [tilespmem:s15+$0x10];
	_ =	sdelay $0x4  }
0xd2: {  	s14 =	sadd.s32 $0x1, s14;
	v3 =	vnsel vm0, $0x0, v1;
	v1 =	vmul.f32 v2, v1  }
0xd3: {  	p0 =	sne.s32 s14, $0xFA;
	[tilespmem:s18+$0x20] =	vst v3  }
.Ltmp2:
0xd4: {  	[tilespmem:s18+$0x10] =	vst v1;
	(pc) =	sbr.rel @p0 .LBB2_4-.Ltmp2, $4  }
0xd5: {  	[spmem:s2] =	stream.indirect.scatter.add.f32 [tilespmem:s26], [sflag:$0x2], $0x50, s4, s0, $0xb8;
	[tilespmem:$0x1DD80] =	vst v63  }
0xd6: {  	_ =	swait.ge [sflag:s28], $0x1900  }
0xd7: {  	[sflag:s28] =	ssyncset.done $0x0  }
0xd8: {  	[sflag:s28] =	ssyncadd.s32 $0xFFFFE700  }
0xd9: {  	s13 =	stileid.u32  }
0xda: {  	[bflag:$0x0] =	sbarrier.arrive $0xFFFF;
	s13 =	sshll.u32 s13, $0x6  }
0xdb: {  	s14 =	sshrl.u32 s5, $0x3;
	s15 =	rddreg [dreg:$0x8];
	s13 =	sor.u32 $0x1C02, s13  }
0xdc: {  	[hbm:s15], [sflag:s13] =	dma.local [spmem:s14], $0x320  }
0xdd: {  	_ =	swait.ge [sflag:s28], $0x320  }
0xde: {  	[sflag:s28] =	ssyncset.done $0x0  }
0xdf: {  	s17 =	sshrl.u32 s6, $0x3;
	s18 =	rddreg [dreg:$0x9];
	[sflag:s28] =	ssyncadd.s32 $0xFFFFFCE0  }
0xe0: {  	[hbm:s18], [sflag:s13] =	dma.local [spmem:s17], $0x320  }
0xe1: {  	_ =	swait.ge [sflag:s28], $0x320  }
0xe2: {  	[sflag:s28] =	ssyncset.done $0x0  }
0xe3: {  	s15 =	sshrl.u32 s7, $0x3;
	[sflag:s28] =	ssyncadd.s32 $0xFFFFFCE0  }
0xe4: {  	[hbm:s19], [sflag:s13] =	dma.local [spmem:s15], $0x320  }
0xe5: {  	_ =	swait.ge [sflag:s28], $0x320  }
0xe6: {  	[sflag:s28] =	ssyncset.done $0x0  }
0xe7: {  	s17 =	sshrl.u32 s8, $0x3;
	[sflag:s28] =	ssyncadd.s32 $0xFFFFFCE0  }
0xe8: {  	[hbm:s20], [sflag:s13] =	dma.local [spmem:s17], $0x320  }
0xe9: {  	_ =	swait.ge [sflag:s28], $0x320  }
0xea: {  	[sflag:s28] =	ssyncset.done $0x0  }
0xeb: {  	s18 =	sshrl.u32 s9, $0x3;
	[sflag:s28] =	ssyncadd.s32 $0xFFFFFCE0  }
0xec: {  	[hbm:s21], [sflag:s13] =	dma.local [spmem:s18], $0x320  }
0xed: {  	_ =	swait.ge [sflag:s28], $0x320  }
0xee: {  	[sflag:s28] =	ssyncset.done $0x0  }
0xef: {  	s15 =	sshrl.u32 s10, $0x3;
	[sflag:s28] =	ssyncadd.s32 $0xFFFFFCE0  }
0xf0: {  	[hbm:s22], [sflag:s13] =	dma.local [spmem:s15], $0x320  }
0xf1: {  	_ =	swait.ge [sflag:s28], $0x320  }
0xf2: {  	[sflag:s28] =	ssyncset.done $0x0  }
0xf3: {  	s17 =	sshrl.u32 s11, $0x3;
	[sflag:s28] =	ssyncadd.s32 $0xFFFFFCE0  }
0xf4: {  	[hbm:s23], [sflag:s13] =	dma.local [spmem:s17], $0x320  }
0xf5: {  	s3 =	sadd.s32 $0x1, s3;
	_ =	swait.ge [sflag:s28], $0x320  }
0xf6: {  	p0 =	sne.s32 s3, s25;
	[sflag:s28] =	ssyncset.done $0x0  }
.Ltmp3:
0xf7: {  	s18 =	sshrl.u32 s12, $0x3;
	[sflag:s28] =	ssyncadd.s32 $0xFFFFFCE0;
	(pc) =	sbr.rel @p0 .LBB2_1-.Ltmp3, $4  }
0xf8: {  	[hbm:s24], [sflag:s13] =	dma.local [spmem:s18], $0x2D0  }
0xf9: {  	_ =	swait.ge [sflag:s28], $0x2D0  }
0xfa: {  	[sflag:s28] =	ssyncset.done $0x0  }
0xfb: {  	[sflag:s28] =	ssyncadd.s32 $0xFFFFFD30  }
0xfc: {  	_ =	sfence.sel $0x180000  }
0xfd: {  	[bflag:$0x0] =	sbarrier.arrive $0xFFFF  }
0xfe: {  	_ =	strace $0x90000047  }
0xff: {  	s0 =	stileid.u32;
	[bflag:$0x2] =	sbarrier.arrive $0xFFFF  }
0x100: {  	p0 =	sne.s32 s0, $0x0;
	s0 =	rddreg [dreg:$0x3]  }
0x101: {  	s0 =	sadd.s32 @!p0 $0x100000, s0  }
0x102: {  	[sflag:s0] =	ssyncadd.tile.s32 @!p0 $0x1;
	_ =	shalt  }
.Lfunc_end2:
_tile_overlayer_lowered:
.L_overlay_start_2:
0x103: {  	(tag) =	ssettag $0x2  }
0x104: {  	s0 =	rddreg [dreg:$0x0];
	s2 =	stileid.u32  }
0x105: {  	s1 =	rddreg [dreg:$0x1];
	p0 =	sne.s32 s2, $0x0  }
0x106: {  	s3 =	rddreg [dreg:$0x2];
	[bflag:$0x3] =	sbarrier.arrive $0xFFFF;
	s2 =	simm.s32 @!p0 $0x1C02  }
0x107: {  	[timem:s3], [sflag:s2] =	dma.local @!p0 [hbm:s0], s1  }
0x108: {  	s0 =	simm.s32 @!p0 $0x2  }
0x109: {  	_ =	swait.ge @!p0 [sflag:s0], s1  }
0x10a: {  	s1 =	ssub.s32 @!p0 $0x0, s1;
	[sflag:s0] =	ssyncset.done @!p0 $0x0  }
0x10b: {  	[sflag:s0] =	ssyncadd.s32 @!p0 s1  }
0x10c: {  	[bflag:$0x3] =	sbarrier.arrive $0xFFFF  }
0x10d: {  	_ =	shalt  }

</sc_bundles>
